<compile_context>
chip_gen: v7x
topology: tpu7x:2x2x1
jax: 0.10.2.dev20260603
libtpu: 0.0.44.dev20260713+nightly
codegen_flags: <defaults>
</compile_context>

<pallas_src>
import jax
import jax.numpy as jnp
from jax import lax
from jax.experimental import pallas as pl
from jax.experimental.pallas import tpu as pltpu
from jax.experimental.pallas import tpu_sc as plsc

NC = 2
NS = 16
NW = NC * NS


def _sc_pool(text2, emb, B, L, D):
    SPW = B // NW
    C0 = 128
    C1 = L - C0

    def body(text_hbm, emb_hbm, pooled_hbm, idx_v, buf_a, buf_b, pooled_v,
             sem_a, sem_b):
        wid = lax.axis_index("s") * NC + lax.axis_index("c")
        base = wid * SPW

        pltpu.sync_copy(text_hbm.at[wid], idx_v)

        def gather_descs(s, buf, sem):
            off = pl.multiple_of(s * L, 8)
            d0 = pltpu.make_async_copy(
                emb_hbm.at[idx_v.at[pl.ds(off, C0)]],
                buf.at[pl.ds(0, C0)], sem)
            d1 = pltpu.make_async_copy(
                emb_hbm.at[idx_v.at[pl.ds(off + C0, C1)]],
                buf.at[pl.ds(C0, C1)], sem)
            return d0, d1

        def start(s, buf, sem):
            d0, d1 = gather_descs(s, buf, sem)
            d0.start()
            d1.start()

        def wait(s, buf, sem):
            d0, d1 = gather_descs(s, buf, sem)
            d0.wait()
            d1.wait()

        def reduce_store(s, buf):
            zero = jnp.zeros((16,), jnp.float32)

            def rbody(r, accs):
                out = list(accs)
                for u in range(8):
                    row = r * 8 + u
                    bank = (u % 2) * 4
                    for c in range(4):
                        out[bank + c] = out[bank + c] + buf[row,
                                                           pl.ds(c * 16, 16)]
                return tuple(out)

            accs = lax.fori_loop(0, L // 8, rbody, (zero,) * 8)
            scale = jnp.float32(1.0 / L)
            for c in range(4):
                pooled_v[s, pl.ds(c * 16, 16)] = (accs[c] + accs[4 + c]) * scale

        start(0, buf_a, sem_a)
        start(1, buf_b, sem_b)

        def pair(i, carry):
            s0 = 2 * i
            wait(s0, buf_a, sem_a)
            reduce_store(s0, buf_a)

            @pl.when(i < SPW // 2 - 1)
            def _():
                start(s0 + 2, buf_a, sem_a)

            wait(s0 + 1, buf_b, sem_b)
            reduce_store(s0 + 1, buf_b)

            @pl.when(i < SPW // 2 - 1)
            def _():
                start(s0 + 3, buf_b, sem_b)

            return carry

        lax.fori_loop(0, SPW // 2, pair, 0)

        pltpu.sync_copy(pooled_v, pooled_hbm.at[pl.ds(base, SPW)])

    return pl.kernel(
        body,
        out_type=jax.ShapeDtypeStruct((B, D), jnp.float32),
        mesh=plsc.VectorSubcoreMesh(core_axis_name="c", subcore_axis_name="s",
                                    num_cores=NC, num_subcores=NS),
        scratch_types=[
            pltpu.VMEM((SPW * L,), jnp.int32),
            pltpu.VMEM((L, D), jnp.float32),
            pltpu.VMEM((L, D), jnp.float32),
            pltpu.VMEM((SPW, D), jnp.float32),
            pltpu.SemaphoreType.DMA,
            pltpu.SemaphoreType.DMA,
        ],
        compiler_params=pltpu.CompilerParams(use_tc_tiling_on_sc=False),
    )(text2, emb)


def _mlp_body(x_ref, w1t_ref, b1_ref, w2t_ref, b2_ref, o_ref):
    h = jnp.dot(x_ref[...], w1t_ref[...],
                preferred_element_type=jnp.float32) + b1_ref[...]
    h = jnp.maximum(h, 0.0)
    o_ref[...] = jnp.dot(h, w2t_ref[...],
                         preferred_element_type=jnp.float32) + b2_ref[...]


def kernel(text, emb, W1, b1, W2, b2):
    B, L = text.shape
    V, D = emb.shape
    H = W1.shape[0]
    O = W2.shape[0]
    assert B % NW == 0 and (B // NW) % 2 == 0 and L % 8 == 0 and D == 64

    text2 = text.astype(jnp.int32).reshape(NW, (B // NW) * L)
    pooled = _sc_pool(text2, emb, B, L, D)

    OP = 128
    w2t_pad = jnp.zeros((H, OP), jnp.float32).at[:, :O].set(W2.T)
    b2_pad = jnp.zeros((1, OP), jnp.float32).at[:, :O].set(b2)

    out = pl.pallas_call(
        _mlp_body,
        out_shape=jax.ShapeDtypeStruct((B, OP), jnp.float32),
    )(pooled, W1.T, b1.reshape(1, H), w2t_pad, b2_pad)
    return out[:, :O]

# --- scband reference (transcript-rebuilt; emitter-appended) ---
"""Pipeline reference for scband-text-classifier-4827543241439 (READ-ONLY COPY).

The authoritative reference and input builder live on the scoring server;
editing this copy changes nothing except your own understanding.
"""

import jax, jax.numpy as jnp
import numpy as np


def setup_inputs(seed: int = 0) -> dict:
    key = jax.random.key(seed)
    k1, k2, k3, k4 = jax.random.split(key, 4)
    text = jax.random.randint(k1, (4096, 200), 0, 1000000, dtype=jnp.int64)
    emb = jax.random.normal(k2, (1000000, 64), dtype=jnp.float32) * 0.02
    W1 = jax.random.normal(k3, (128, 64), dtype=jnp.float32) * 0.05
    b1 = jnp.zeros((128,), dtype=jnp.float32)
    W2 = jax.random.normal(k4, (10, 128), dtype=jnp.float32) * 0.05
    b2 = jnp.zeros((10,), dtype=jnp.float32)
    return {"text": text, "emb": emb, "W1": W1, "b1": b1, "W2": W2, "b2": b2}


def reference(text, emb, W1, b1, W2, b2):
    # nn.Embedding lookup -> gather rows from table
    embedded = jnp.take(emb, text, axis=0)          # [B, L, D]
    pooled = embedded.mean(axis=1)                   # [B, D]
    # fc: Linear(64->128) + ReLU + Linear(128->10), torch Linear is x @ W.T + b
    h = jax.nn.relu(pooled @ W1.T + b1)
    out = h @ W2.T + b2
    return out

if __name__ == "__main__":
    import jax
    _d = setup_inputs()
    print(jax.jit(kernel)(*tuple(_d.values())))

</pallas_src>

<mosaic_0001>
#map = affine_map<(d0, d1) -> (0, 0)>
module attributes {stable_mosaic.version = 14 : i64} {
  func.func @body(%arg0: i32, %arg1: i32, %arg2: memref<32x25600xi32, #tpu.memory_space<hbm>>, %arg3: memref<1000000x64xf32, #tpu.memory_space<hbm>>, %arg4: memref<4096x64xf32, #tpu.memory_space<hbm>>, %arg5: memref<25600xi32, #tpu.memory_space<vmem>>, %arg6: memref<200x64xf32, #tpu.memory_space<vmem>>, %arg7: memref<200x64xf32, #tpu.memory_space<vmem>>, %arg8: memref<128x64xf32, #tpu.memory_space<vmem>>, %arg9: memref<!tpu.dma_semaphore, #tpu.memory_space<semaphore_mem>>, %arg10: memref<!tpu.dma_semaphore, #tpu.memory_space<semaphore_mem>>) attributes {dimension_semantics = [#tpu.dimension_semantics<core_parallel>, #tpu.dimension_semantics<subcore_parallel>], iteration_bounds = array<i64: 2, 16>, scalar_prefetch = 0 : i64, scratch_operands = 6 : i64, tpu.core_type = #tpu.core_type<sc_vector_subcore>, window_params = [{transform_indices = #map}, {transform_indices = #map}, {transform_indices = #map}]} {
    %mul3A = arith.constant 2 : i32
    %mul3A_0 = arith.muli %arg1, %mul3A : i32
    %add3A = arith.addi %mul3A_0, %arg0 : i32
    %mul3A_1 = arith.constant 128 : i32
    %mul3A_2 = arith.muli %add3A, %mul3A_1 : i32
    "tpu.region"() ({
      %run_scoped3A = tpu.sem_alloc : memref<!tpu.dma_semaphore, #tpu.memory_space<semaphore_mem>>
      %dma_start3A_42 = arith.constant 0 : i32
      %dma_start3A_43 = tpu.memref_slice %arg2[%add3A, %dma_start3A_42] : memref<32x25600xi32, #tpu.memory_space<hbm>> -> memref<1x25600xi32, #tpu.memory_space<hbm>>
      %dma_start3A_44 = tpu.memref_squeeze %dma_start3A_43 : memref<1x25600xi32, #tpu.memory_space<hbm>> -> memref<25600xi32, #tpu.memory_space<hbm>>
      %dma_start3A_45 = arith.constant 0 : i32
      %dma_start3A_46 = tpu.memref_slice %arg2[%add3A, %dma_start3A_45] : memref<32x25600xi32, #tpu.memory_space<hbm>> -> memref<1x25600xi32, #tpu.memory_space<hbm>>
      %dma_start3A_47 = tpu.memref_squeeze %dma_start3A_46 : memref<1x25600xi32, #tpu.memory_space<hbm>> -> memref<25600xi32, #tpu.memory_space<hbm>>
      tpu.enqueue_dma source(%dma_start3A_47 : memref<25600xi32, #tpu.memory_space<hbm>>) target(%arg5 : memref<25600xi32, #tpu.memory_space<vmem>>) target_semaphore(%run_scoped3A : memref<!tpu.dma_semaphore, #tpu.memory_space<semaphore_mem>>)
      %dma_wait3A = arith.constant 0 : i32
      %dma_wait3A_48 = tpu.memref_slice %arg2[%add3A, %dma_wait3A] : memref<32x25600xi32, #tpu.memory_space<hbm>> -> memref<1x25600xi32, #tpu.memory_space<hbm>>
      %dma_wait3A_49 = tpu.memref_squeeze %dma_wait3A_48 : memref<1x25600xi32, #tpu.memory_space<hbm>> -> memref<25600xi32, #tpu.memory_space<hbm>>
      %dma_wait3A_50 = arith.constant 0 : i32
      %dma_wait3A_51 = tpu.memref_slice %arg2[%add3A, %dma_wait3A_50] : memref<32x25600xi32, #tpu.memory_space<hbm>> -> memref<1x25600xi32, #tpu.memory_space<hbm>>
      %dma_wait3A_52 = tpu.memref_squeeze %dma_wait3A_51 : memref<1x25600xi32, #tpu.memory_space<hbm>> -> memref<25600xi32, #tpu.memory_space<hbm>>
      tpu.wait_dma2 semaphore(%run_scoped3A : memref<!tpu.dma_semaphore, #tpu.memory_space<semaphore_mem>>) src(%dma_wait3A_52 : memref<25600xi32, #tpu.memory_space<hbm>>) dst(%arg5 : memref<25600xi32, #tpu.memory_space<vmem>>)
      tpu.yield
    }) : () -> ()
    %multiple_of3A = arith.constant 0 : i32
    %multiple_of3A_3 = tpu.assume_multiple %multiple_of3A, 8 : i32
    %add3A_4 = arith.constant 128 : i32
    %add3A_5 = arith.addi %multiple_of3A_3, %add3A_4 : i32
    %dma_start3A = arith.constant 0 : i32
    %dma_start3A_6 = arith.constant 0 : i32
    %dma_start3A_7 = tpu.memref_slice %arg6[%dma_start3A, %dma_start3A_6] : memref<200x64xf32, #tpu.memory_space<vmem>> -> memref<128x64xf32, #tpu.memory_space<vmem>>
    %dma_start3A_8 = tpu.memref_slice %arg5[%multiple_of3A_3] : memref<25600xi32, #tpu.memory_space<vmem>> -> memref<128xi32, #tpu.memory_space<vmem>>
    %dma_start3A_9 = arith.constant 0 : i32
    %dma_start3A_10 = arith.constant 0 : i32
    %dma_start3A_11 = tpu.memref_slice %arg3[%dma_start3A_9, %dma_start3A_10] : memref<1000000x64xf32, #tpu.memory_space<hbm>> -> memref<1000000x64xf32, #tpu.memory_space<hbm>>
    tpu.enqueue_indirect_dma source(%dma_start3A_11 : memref<1000000x64xf32, #tpu.memory_space<hbm>>) target(%dma_start3A_7 : memref<128x64xf32, #tpu.memory_space<vmem>>) offsets(%dma_start3A_8 : memref<128xi32, #tpu.memory_space<vmem>>) semaphore(%arg9 : memref<!tpu.dma_semaphore, #tpu.memory_space<semaphore_mem>>)
    %dma_start3A_12 = arith.constant 128 : i32
    %dma_start3A_13 = arith.constant 0 : i32
    %dma_start3A_14 = tpu.memref_slice %arg6[%dma_start3A_12, %dma_start3A_13] : memref<200x64xf32, #tpu.memory_space<vmem>> -> memref<72x64xf32, #tpu.memory_space<vmem>>
    %dma_start3A_15 = tpu.memref_slice %arg5[%add3A_5] : memref<25600xi32, #tpu.memory_space<vmem>> -> memref<72xi32, #tpu.memory_space<vmem>>
    %dma_start3A_16 = arith.constant 0 : i32
    %dma_start3A_17 = arith.constant 0 : i32
    %dma_start3A_18 = tpu.memref_slice %arg3[%dma_start3A_16, %dma_start3A_17] : memref<1000000x64xf32, #tpu.memory_space<hbm>> -> memref<1000000x64xf32, #tpu.memory_space<hbm>>
    tpu.enqueue_indirect_dma source(%dma_start3A_18 : memref<1000000x64xf32, #tpu.memory_space<hbm>>) target(%dma_start3A_14 : memref<72x64xf32, #tpu.memory_space<vmem>>) offsets(%dma_start3A_15 : memref<72xi32, #tpu.memory_space<vmem>>) semaphore(%arg9 : memref<!tpu.dma_semaphore, #tpu.memory_space<semaphore_mem>>)
    %multiple_of3A_19 = arith.constant 200 : i32
    %multiple_of3A_20 = tpu.assume_multiple %multiple_of3A_19, 8 : i32
    %add3A_21 = arith.constant 128 : i32
    %add3A_22 = arith.addi %multiple_of3A_20, %add3A_21 : i32
    %dma_start3A_23 = arith.constant 0 : i32
    %dma_start3A_24 = arith.constant 0 : i32
    %dma_start3A_25 = tpu.memref_slice %arg7[%dma_start3A_23, %dma_start3A_24] : memref<200x64xf32, #tpu.memory_space<vmem>> -> memref<128x64xf32, #tpu.memory_space<vmem>>
    %dma_start3A_26 = tpu.memref_slice %arg5[%multiple_of3A_20] : memref<25600xi32, #tpu.memory_space<vmem>> -> memref<128xi32, #tpu.memory_space<vmem>>
    %dma_start3A_27 = arith.constant 0 : i32
    %dma_start3A_28 = arith.constant 0 : i32
    %dma_start3A_29 = tpu.memref_slice %arg3[%dma_start3A_27, %dma_start3A_28] : memref<1000000x64xf32, #tpu.memory_space<hbm>> -> memref<1000000x64xf32, #tpu.memory_space<hbm>>
    tpu.enqueue_indirect_dma source(%dma_start3A_29 : memref<1000000x64xf32, #tpu.memory_space<hbm>>) target(%dma_start3A_25 : memref<128x64xf32, #tpu.memory_space<vmem>>) offsets(%dma_start3A_26 : memref<128xi32, #tpu.memory_space<vmem>>) semaphore(%arg10 : memref<!tpu.dma_semaphore, #tpu.memory_space<semaphore_mem>>)
    %dma_start3A_30 = arith.constant 128 : i32
    %dma_start3A_31 = arith.constant 0 : i32
    %dma_start3A_32 = tpu.memref_slice %arg7[%dma_start3A_30, %dma_start3A_31] : memref<200x64xf32, #tpu.memory_space<vmem>> -> memref<72x64xf32, #tpu.memory_space<vmem>>
    %dma_start3A_33 = tpu.memref_slice %arg5[%add3A_22] : memref<25600xi32, #tpu.memory_space<vmem>> -> memref<72xi32, #tpu.memory_space<vmem>>
    %dma_start3A_34 = arith.constant 0 : i32
    %dma_start3A_35 = arith.constant 0 : i32
    %dma_start3A_36 = tpu.memref_slice %arg3[%dma_start3A_34, %dma_start3A_35] : memref<1000000x64xf32, #tpu.memory_space<hbm>> -> memref<1000000x64xf32, #tpu.memory_space<hbm>>
    tpu.enqueue_indirect_dma source(%dma_start3A_36 : memref<1000000x64xf32, #tpu.memory_space<hbm>>) target(%dma_start3A_32 : memref<72x64xf32, #tpu.memory_space<vmem>>) offsets(%dma_start3A_33 : memref<72xi32, #tpu.memory_space<vmem>>) semaphore(%arg10 : memref<!tpu.dma_semaphore, #tpu.memory_space<semaphore_mem>>)
    %scan3A = arith.constant 0 : i32
    %scan3A_37 = arith.constant 0 : i32
    %scan3A_38 = arith.constant 64 : i32
    %scan3A_39 = arith.addi %scan3A_37, %scan3A_38 : i32
    %scan3A_40 = arith.constant 1 : i32
    scf.for %scan3A_42 = %scan3A_37 to %scan3A_39 step %scan3A_40  : i32 {
      %mul3A_43 = arith.constant 2 : i32
      %mul3A_44 = arith.muli %mul3A_43, %scan3A_42 : i32
      %mul3A_45 = arith.constant 200 : i32
      %mul3A_46 = arith.muli %mul3A_44, %mul3A_45 : i32
      %multiple_of3A_47 = tpu.assume_multiple %mul3A_46, 8 : i32
      %add3A_48 = arith.constant 128 : i32
      %add3A_49 = arith.addi %multiple_of3A_47, %add3A_48 : i32
      %dma_wait3A = arith.constant 0 : i32
      %dma_wait3A_50 = arith.constant 0 : i32
      %dma_wait3A_51 = tpu.memref_slice %arg6[%dma_wait3A, %dma_wait3A_50] : memref<200x64xf32, #tpu.memory_space<vmem>> -> memref<128x64xf32, #tpu.memory_space<vmem>>
      %dma_wait3A_52 = tpu.memref_slice %arg5[%multiple_of3A_47] : memref<25600xi32, #tpu.memory_space<vmem>> -> memref<128xi32, #tpu.memory_space<vmem>>
      %dma_wait3A_53 = arith.constant 0 : i32
      %dma_wait3A_54 = arith.constant 0 : i32
      %dma_wait3A_55 = tpu.memref_slice %arg3[%dma_wait3A_53, %dma_wait3A_54] : memref<1000000x64xf32, #tpu.memory_space<hbm>> -> memref<1000000x64xf32, #tpu.memory_space<hbm>>
      tpu.wait_indirect_dma semaphore(%arg9 : memref<!tpu.dma_semaphore, #tpu.memory_space<semaphore_mem>>) src(%dma_wait3A_55 : memref<1000000x64xf32, #tpu.memory_space<hbm>>) dst(%dma_wait3A_51 : memref<128x64xf32, #tpu.memory_space<vmem>>)
      %dma_wait3A_56 = arith.constant 128 : i32
      %dma_wait3A_57 = arith.constant 0 : i32
      %dma_wait3A_58 = tpu.memref_slice %arg6[%dma_wait3A_56, %dma_wait3A_57] : memref<200x64xf32, #tpu.memory_space<vmem>> -> memref<72x64xf32, #tpu.memory_space<vmem>>
      %dma_wait3A_59 = tpu.memref_slice %arg5[%add3A_49] : memref<25600xi32, #tpu.memory_space<vmem>> -> memref<72xi32, #tpu.memory_space<vmem>>
      %dma_wait3A_60 = arith.constant 0 : i32
      %dma_wait3A_61 = arith.constant 0 : i32
      %dma_wait3A_62 = tpu.memref_slice %arg3[%dma_wait3A_60, %dma_wait3A_61] : memref<1000000x64xf32, #tpu.memory_space<hbm>> -> memref<1000000x64xf32, #tpu.memory_space<hbm>>
      tpu.wait_indirect_dma semaphore(%arg9 : memref<!tpu.dma_semaphore, #tpu.memory_space<semaphore_mem>>) src(%dma_wait3A_62 : memref<1000000x64xf32, #tpu.memory_space<hbm>>) dst(%dma_wait3A_58 : memref<72x64xf32, #tpu.memory_space<vmem>>)
      %broadcast_in_dim3A = arith.constant 0.000000e+00 : f32
      %broadcast_in_dim3A_63 = vector.broadcast %broadcast_in_dim3A : f32 to vector<16xf32>
      %scan3A_64 = arith.constant 0 : i32
      %scan3A_65 = arith.constant 25 : i32
      %scan3A_66 = arith.addi %scan3A_64, %scan3A_65 : i32
      %scan3A_67 = arith.constant 1 : i32
      %scan3A_68:8 = scf.for %scan3A_179 = %scan3A_64 to %scan3A_66 step %scan3A_67 iter_args(%scan3A_180 = %broadcast_in_dim3A_63, %scan3A_181 = %broadcast_in_dim3A_63, %scan3A_182 = %broadcast_in_dim3A_63, %scan3A_183 = %broadcast_in_dim3A_63, %scan3A_184 = %broadcast_in_dim3A_63, %scan3A_185 = %broadcast_in_dim3A_63, %scan3A_186 = %broadcast_in_dim3A_63, %scan3A_187 = %broadcast_in_dim3A_63) -> (vector<16xf32>, vector<16xf32>, vector<16xf32>, vector<16xf32>, vector<16xf32>, vector<16xf32>, vector<16xf32>, vector<16xf32>)  : i32 {
        %mul3A_188 = arith.constant 8 : i32
        %mul3A_189 = arith.muli %scan3A_179, %mul3A_188 : i32
        %add3A_190 = arith.constant 0 : i32
        %add3A_191 = arith.addi %mul3A_189, %add3A_190 : i32
        %get3A = arith.index_cast %add3A_191 : i32 to index
        %get3A_192 = arith.constant 0 : index
        %get3A_193 = tpu.vector_load %arg6[%get3A, %get3A_192] {strides = array<i32>} : memref<200x64xf32, #tpu.memory_space<vmem>>, vector<1x16xf32>,
        %get3A_194 = vector.shape_cast %get3A_193 : vector<1x16xf32> to vector<16xf32>
        %add3A_195 = arith.addf %scan3A_180, %get3A_194 : vector<16xf32>
        %get3A_196 = arith.index_cast %add3A_191 : i32 to index
        %get3A_197 = arith.constant 16 : index
        %get3A_198 = tpu.vector_load %arg6[%get3A_196, %get3A_197] {strides = array<i32>} : memref<200x64xf32, #tpu.memory_space<vmem>>, vector<1x16xf32>,
        %get3A_199 = vector.shape_cast %get3A_198 : vector<1x16xf32> to vector<16xf32>
        %add3A_200 = arith.addf %scan3A_181, %get3A_199 : vector<16xf32>
        %get3A_201 = arith.index_cast %add3A_191 : i32 to index
        %get3A_202 = arith.constant 32 : index
        %get3A_203 = tpu.vector_load %arg6[%get3A_201, %get3A_202] {strides = array<i32>} : memref<200x64xf32, #tpu.memory_space<vmem>>, vector<1x16xf32>,
        %get3A_204 = vector.shape_cast %get3A_203 : vector<1x16xf32> to vector<16xf32>
        %add3A_205 = arith.addf %scan3A_182, %get3A_204 : vector<16xf32>
        %get3A_206 = arith.index_cast %add3A_191 : i32 to index
        %get3A_207 = arith.constant 48 : index
        %get3A_208 = tpu.vector_load %arg6[%get3A_206, %get3A_207] {strides = array<i32>} : memref<200x64xf32, #tpu.memory_space<vmem>>, vector<1x16xf32>,
        %get3A_209 = vector.shape_cast %get3A_208 : vector<1x16xf32> to vector<16xf32>
        %add3A_210 = arith.addf %scan3A_183, %get3A_209 : vector<16xf32>
        %mul3A_211 = arith.constant 8 : i32
        %mul3A_212 = arith.muli %scan3A_179, %mul3A_211 : i32
        %add3A_213 = arith.constant 1 : i32
        %add3A_214 = arith.addi %mul3A_212, %add3A_213 : i32
        %get3A_215 = arith.index_cast %add3A_214 : i32 to index
        %get3A_216 = arith.constant 0 : index
        %get3A_217 = tpu.vector_load %arg6[%get3A_215, %get3A_216] {strides = array<i32>} : memref<200x64xf32, #tpu.memory_space<vmem>>, vector<1x16xf32>,
        %get3A_218 = vector.shape_cast %get3A_217 : vector<1x16xf32> to vector<16xf32>
        %add3A_219 = arith.addf %scan3A_184, %get3A_218 : vector<16xf32>
        %get3A_220 = arith.index_cast %add3A_214 : i32 to index
        %get3A_221 = arith.constant 16 : index
        %get3A_222 = tpu.vector_load %arg6[%get3A_220, %get3A_221] {strides = array<i32>} : memref<200x64xf32, #tpu.memory_space<vmem>>, vector<1x16xf32>,
        %get3A_223 = vector.shape_cast %get3A_222 : vector<1x16xf32> to vector<16xf32>
        %add3A_224 = arith.addf %scan3A_185, %get3A_223 : vector<16xf32>
        %get3A_225 = arith.index_cast %add3A_214 : i32 to index
        %get3A_226 = arith.constant 32 : index
        %get3A_227 = tpu.vector_load %arg6[%get3A_225, %get3A_226] {strides = array<i32>} : memref<200x64xf32, #tpu.memory_space<vmem>>, vector<1x16xf32>,
        %get3A_228 = vector.shape_cast %get3A_227 : vector<1x16xf32> to vector<16xf32>
        %add3A_229 = arith.addf %scan3A_186, %get3A_228 : vector<16xf32>
        %get3A_230 = arith.index_cast %add3A_214 : i32 to index
        %get3A_231 = arith.constant 48 : index
        %get3A_232 = tpu.vector_load %arg6[%get3A_230, %get3A_231] {strides = array<i32>} : memref<200x64xf32, #tpu.memory_space<vmem>>, vector<1x16xf32>,
        %get3A_233 = vector.shape_cast %get3A_232 : vector<1x16xf32> to vector<16xf32>
        %add3A_234 = arith.addf %scan3A_187, %get3A_233 : vector<16xf32>
        %mul3A_235 = arith.constant 8 : i32
        %mul3A_236 = arith.muli %scan3A_179, %mul3A_235 : i32
        %add3A_237 = arith.constant 2 : i32
        %add3A_238 = arith.addi %mul3A_236, %add3A_237 : i32
        %get3A_239 = arith.index_cast %add3A_238 : i32 to index
        %get3A_240 = arith.constant 0 : index
        %get3A_241 = tpu.vector_load %arg6[%get3A_239, %get3A_240] {strides = array<i32>} : memref<200x64xf32, #tpu.memory_space<vmem>>, vector<1x16xf32>,
        %get3A_242 = vector.shape_cast %get3A_241 : vector<1x16xf32> to vector<16xf32>
        %add3A_243 = arith.addf %add3A_195, %get3A_242 : vector<16xf32>
        %get3A_244 = arith.index_cast %add3A_238 : i32 to index
        %get3A_245 = arith.constant 16 : index
        %get3A_246 = tpu.vector_load %arg6[%get3A_244, %get3A_245] {strides = array<i32>} : memref<200x64xf32, #tpu.memory_space<vmem>>, vector<1x16xf32>,
        %get3A_247 = vector.shape_cast %get3A_246 : vector<1x16xf32> to vector<16xf32>
        %add3A_248 = arith.addf %add3A_200, %get3A_247 : vector<16xf32>
        %get3A_249 = arith.index_cast %add3A_238 : i32 to index
        %get3A_250 = arith.constant 32 : index
        %get3A_251 = tpu.vector_load %arg6[%get3A_249, %get3A_250] {strides = array<i32>} : memref<200x64xf32, #tpu.memory_space<vmem>>, vector<1x16xf32>,
        %get3A_252 = vector.shape_cast %get3A_251 : vector<1x16xf32> to vector<16xf32>
        %add3A_253 = arith.addf %add3A_205, %get3A_252 : vector<16xf32>
        %get3A_254 = arith.index_cast %add3A_238 : i32 to index
        %get3A_255 = arith.constant 48 : index
        %get3A_256 = tpu.vector_load %arg6[%get3A_254, %get3A_255] {strides = array<i32>} : memref<200x64xf32, #tpu.memory_space<vmem>>, vector<1x16xf32>,
        %get3A_257 = vector.shape_cast %get3A_256 : vector<1x16xf32> to vector<16xf32>
        %add3A_258 = arith.addf %add3A_210, %get3A_257 : vector<16xf32>
        %mul3A_259 = arith.constant 8 : i32
        %mul3A_260 = arith.muli %scan3A_179, %mul3A_259 : i32
        %add3A_261 = arith.constant 3 : i32
        %add3A_262 = arith.addi %mul3A_260, %add3A_261 : i32
        %get3A_263 = arith.index_cast %add3A_262 : i32 to index
        %get3A_264 = arith.constant 0 : index
        %get3A_265 = tpu.vector_load %arg6[%get3A_263, %get3A_264] {strides = array<i32>} : memref<200x64xf32, #tpu.memory_space<vmem>>, vector<1x16xf32>,
        %get3A_266 = vector.shape_cast %get3A_265 : vector<1x16xf32> to vector<16xf32>
        %add3A_267 = arith.addf %add3A_219, %get3A_266 : vector<16xf32>
        %get3A_268 = arith.index_cast %add3A_262 : i32 to index
        %get3A_269 = arith.constant 16 : index
        %get3A_270 = tpu.vector_load %arg6[%get3A_268, %get3A_269] {strides = array<i32>} : memref<200x64xf32, #tpu.memory_space<vmem>>, vector<1x16xf32>,
        %get3A_271 = vector.shape_cast %get3A_270 : vector<1x16xf32> to vector<16xf32>
        %add3A_272 = arith.addf %add3A_224, %get3A_271 : vector<16xf32>
        %get3A_273 = arith.index_cast %add3A_262 : i32 to index
        %get3A_274 = arith.constant 32 : index
        %get3A_275 = tpu.vector_load %arg6[%get3A_273, %get3A_274] {strides = array<i32>} : memref<200x64xf32, #tpu.memory_space<vmem>>, vector<1x16xf32>,
        %get3A_276 = vector.shape_cast %get3A_275 : vector<1x16xf32> to vector<16xf32>
        %add3A_277 = arith.addf %add3A_229, %get3A_276 : vector<16xf32>
        %get3A_278 = arith.index_cast %add3A_262 : i32 to index
        %get3A_279 = arith.constant 48 : index
        %get3A_280 = tpu.vector_load %arg6[%get3A_278, %get3A_279] {strides = array<i32>} : memref<200x64xf32, #tpu.memory_space<vmem>>, vector<1x16xf32>,
        %get3A_281 = vector.shape_cast %get3A_280 : vector<1x16xf32> to vector<16xf32>
        %add3A_282 = arith.addf %add3A_234, %get3A_281 : vector<16xf32>
        %mul3A_283 = arith.constant 8 : i32
        %mul3A_284 = arith.muli %scan3A_179, %mul3A_283 : i32
        %add3A_285 = arith.constant 4 : i32
        %add3A_286 = arith.addi %mul3A_284, %add3A_285 : i32
        %get3A_287 = arith.index_cast %add3A_286 : i32 to index
        %get3A_288 = arith.constant 0 : index
        %get3A_289 = tpu.vector_load %arg6[%get3A_287, %get3A_288] {strides = array<i32>} : memref<200x64xf32, #tpu.memory_space<vmem>>, vector<1x16xf32>,
        %get3A_290 = vector.shape_cast %get3A_289 : vector<1x16xf32> to vector<16xf32>
        %add3A_291 = arith.addf %add3A_243, %get3A_290 : vector<16xf32>
        %get3A_292 = arith.index_cast %add3A_286 : i32 to index
        %get3A_293 = arith.constant 16 : index
        %get3A_294 = tpu.vector_load %arg6[%get3A_292, %get3A_293] {strides = array<i32>} : memref<200x64xf32, #tpu.memory_space<vmem>>, vector<1x16xf32>,
        %get3A_295 = vector.shape_cast %get3A_294 : vector<1x16xf32> to vector<16xf32>
        %add3A_296 = arith.addf %add3A_248, %get3A_295 : vector<16xf32>
        %get3A_297 = arith.index_cast %add3A_286 : i32 to index
        %get3A_298 = arith.constant 32 : index
        %get3A_299 = tpu.vector_load %arg6[%get3A_297, %get3A_298] {strides = array<i32>} : memref<200x64xf32, #tpu.memory_space<vmem>>, vector<1x16xf32>,
        %get3A_300 = vector.shape_cast %get3A_299 : vector<1x16xf32> to vector<16xf32>
        %add3A_301 = arith.addf %add3A_253, %get3A_300 : vector<16xf32>
        %get3A_302 = arith.index_cast %add3A_286 : i32 to index
        %get3A_303 = arith.constant 48 : index
        %get3A_304 = tpu.vector_load %arg6[%get3A_302, %get3A_303] {strides = array<i32>} : memref<200x64xf32, #tpu.memory_space<vmem>>, vector<1x16xf32>,
        %get3A_305 = vector.shape_cast %get3A_304 : vector<1x16xf32> to vector<16xf32>
        %add3A_306 = arith.addf %add3A_258, %get3A_305 : vector<16xf32>
        %mul3A_307 = arith.constant 8 : i32
        %mul3A_308 = arith.muli %scan3A_179, %mul3A_307 : i32
        %add3A_309 = arith.constant 5 : i32
        %add3A_310 = arith.addi %mul3A_308, %add3A_309 : i32
        %get3A_311 = arith.index_cast %add3A_310 : i32 to index
        %get3A_312 = arith.constant 0 : index
        %get3A_313 = tpu.vector_load %arg6[%get3A_311, %get3A_312] {strides = array<i32>} : memref<200x64xf32, #tpu.memory_space<vmem>>, vector<1x16xf32>,
        %get3A_314 = vector.shape_cast %get3A_313 : vector<1x16xf32> to vector<16xf32>
        %add3A_315 = arith.addf %add3A_267, %get3A_314 : vector<16xf32>
        %get3A_316 = arith.index_cast %add3A_310 : i32 to index
        %get3A_317 = arith.constant 16 : index
        %get3A_318 = tpu.vector_load %arg6[%get3A_316, %get3A_317] {strides = array<i32>} : memref<200x64xf32, #tpu.memory_space<vmem>>, vector<1x16xf32>,
        %get3A_319 = vector.shape_cast %get3A_318 : vector<1x16xf32> to vector<16xf32>
        %add3A_320 = arith.addf %add3A_272, %get3A_319 : vector<16xf32>
        %get3A_321 = arith.index_cast %add3A_310 : i32 to index
        %get3A_322 = arith.constant 32 : index
        %get3A_323 = tpu.vector_load %arg6[%get3A_321, %get3A_322] {strides = array<i32>} : memref<200x64xf32, #tpu.memory_space<vmem>>, vector<1x16xf32>,
        %get3A_324 = vector.shape_cast %get3A_323 : vector<1x16xf32> to vector<16xf32>
        %add3A_325 = arith.addf %add3A_277, %get3A_324 : vector<16xf32>
        %get3A_326 = arith.index_cast %add3A_310 : i32 to index
        %get3A_327 = arith.constant 48 : index
        %get3A_328 = tpu.vector_load %arg6[%get3A_326, %get3A_327] {strides = array<i32>} : memref<200x64xf32, #tpu.memory_space<vmem>>, vector<1x16xf32>,
        %get3A_329 = vector.shape_cast %get3A_328 : vector<1x16xf32> to vector<16xf32>
        %add3A_330 = arith.addf %add3A_282, %get3A_329 : vector<16xf32>
        %mul3A_331 = arith.constant 8 : i32
        %mul3A_332 = arith.muli %scan3A_179, %mul3A_331 : i32
        %add3A_333 = arith.constant 6 : i32
        %add3A_334 = arith.addi %mul3A_332, %add3A_333 : i32
        %get3A_335 = arith.index_cast %add3A_334 : i32 to index
        %get3A_336 = arith.constant 0 : index
        %get3A_337 = tpu.vector_load %arg6[%get3A_335, %get3A_336] {strides = array<i32>} : memref<200x64xf32, #tpu.memory_space<vmem>>, vector<1x16xf32>,
        %get3A_338 = vector.shape_cast %get3A_337 : vector<1x16xf32> to vector<16xf32>
        %add3A_339 = arith.addf %add3A_291, %get3A_338 : vector<16xf32>
        %get3A_340 = arith.index_cast %add3A_334 : i32 to index
        %get3A_341 = arith.constant 16 : index
        %get3A_342 = tpu.vector_load %arg6[%get3A_340, %get3A_341] {strides = array<i32>} : memref<200x64xf32, #tpu.memory_space<vmem>>, vector<1x16xf32>,
        %get3A_343 = vector.shape_cast %get3A_342 : vector<1x16xf32> to vector<16xf32>
        %add3A_344 = arith.addf %add3A_296, %get3A_343 : vector<16xf32>
        %get3A_345 = arith.index_cast %add3A_334 : i32 to index
        %get3A_346 = arith.constant 32 : index
        %get3A_347 = tpu.vector_load %arg6[%get3A_345, %get3A_346] {strides = array<i32>} : memref<200x64xf32, #tpu.memory_space<vmem>>, vector<1x16xf32>,
        %get3A_348 = vector.shape_cast %get3A_347 : vector<1x16xf32> to vector<16xf32>
        %add3A_349 = arith.addf %add3A_301, %get3A_348 : vector<16xf32>
        %get3A_350 = arith.index_cast %add3A_334 : i32 to index
        %get3A_351 = arith.constant 48 : index
        %get3A_352 = tpu.vector_load %arg6[%get3A_350, %get3A_351] {strides = array<i32>} : memref<200x64xf32, #tpu.memory_space<vmem>>, vector<1x16xf32>,
        %get3A_353 = vector.shape_cast %get3A_352 : vector<1x16xf32> to vector<16xf32>
        %add3A_354 = arith.addf %add3A_306, %get3A_353 : vector<16xf32>
        %mul3A_355 = arith.constant 8 : i32
        %mul3A_356 = arith.muli %scan3A_179, %mul3A_355 : i32
        %add3A_357 = arith.constant 7 : i32
        %add3A_358 = arith.addi %mul3A_356, %add3A_357 : i32
        %get3A_359 = arith.index_cast %add3A_358 : i32 to index
        %get3A_360 = arith.constant 0 : index
        %get3A_361 = tpu.vector_load %arg6[%get3A_359, %get3A_360] {strides = array<i32>} : memref<200x64xf32, #tpu.memory_space<vmem>>, vector<1x16xf32>,
        %get3A_362 = vector.shape_cast %get3A_361 : vector<1x16xf32> to vector<16xf32>
        %add3A_363 = arith.addf %add3A_315, %get3A_362 : vector<16xf32>
        %get3A_364 = arith.index_cast %add3A_358 : i32 to index
        %get3A_365 = arith.constant 16 : index
        %get3A_366 = tpu.vector_load %arg6[%get3A_364, %get3A_365] {strides = array<i32>} : memref<200x64xf32, #tpu.memory_space<vmem>>, vector<1x16xf32>,
        %get3A_367 = vector.shape_cast %get3A_366 : vector<1x16xf32> to vector<16xf32>
        %add3A_368 = arith.addf %add3A_320, %get3A_367 : vector<16xf32>
        %get3A_369 = arith.index_cast %add3A_358 : i32 to index
        %get3A_370 = arith.constant 32 : index
        %get3A_371 = tpu.vector_load %arg6[%get3A_369, %get3A_370] {strides = array<i32>} : memref<200x64xf32, #tpu.memory_space<vmem>>, vector<1x16xf32>,
        %get3A_372 = vector.shape_cast %get3A_371 : vector<1x16xf32> to vector<16xf32>
        %add3A_373 = arith.addf %add3A_325, %get3A_372 : vector<16xf32>
        %get3A_374 = arith.index_cast %add3A_358 : i32 to index
        %get3A_375 = arith.constant 48 : index
        %get3A_376 = tpu.vector_load %arg6[%get3A_374, %get3A_375] {strides = array<i32>} : memref<200x64xf32, #tpu.memory_space<vmem>>, vector<1x16xf32>,
        %get3A_377 = vector.shape_cast %get3A_376 : vector<1x16xf32> to vector<16xf32>
        %add3A_378 = arith.addf %add3A_330, %get3A_377 : vector<16xf32>
        scf.yield %add3A_339, %add3A_344, %add3A_349, %add3A_354, %add3A_363, %add3A_368, %add3A_373, %add3A_378 : vector<16xf32>, vector<16xf32>, vector<16xf32>, vector<16xf32>, vector<16xf32>, vector<16xf32>, vector<16xf32>, vector<16xf32>
      }
      %scan3A_69 = arith.constant 25 : i32
      %add3A_70 = arith.addf %scan3A_68#0, %scan3A_68#4 : vector<16xf32>
      %mul3A_71 = arith.constant 5.000000e-03 : f32
      %mul3A_72 = vector.broadcast %mul3A_71 : f32 to vector<16xf32>
      %mul3A_73 = arith.mulf %add3A_70, %mul3A_72 : vector<16xf32>
      %swap3A = arith.index_cast %mul3A_44 : i32 to index
      %swap3A_74 = arith.constant 0 : index
      %swap3A_75 = tpu.vector_load %arg8[%swap3A, %swap3A_74] {strides = array<i32>} : memref<128x64xf32, #tpu.memory_space<vmem>>, vector<1x16xf32>,
      %swap3A_76 = vector.shape_cast %swap3A_75 : vector<1x16xf32> to vector<16xf32>
      %swap3A_77 = vector.shape_cast %mul3A_73 : vector<16xf32> to vector<1x16xf32>
      tpu.vector_store %arg8[%swap3A, %swap3A_74], %swap3A_77 {strides = array<i32>} : memref<128x64xf32, #tpu.memory_space<vmem>>, vector<1x16xf32>,
      %add3A_78 = arith.addf %scan3A_68#1, %scan3A_68#5 : vector<16xf32>
      %mul3A_79 = arith.constant 5.000000e-03 : f32
      %mul3A_80 = vector.broadcast %mul3A_79 : f32 to vector<16xf32>
      %mul3A_81 = arith.mulf %add3A_78, %mul3A_80 : vector<16xf32>
      %swap3A_82 = arith.index_cast %mul3A_44 : i32 to index
      %swap3A_83 = arith.constant 16 : index
      %swap3A_84 = tpu.vector_load %arg8[%swap3A_82, %swap3A_83] {strides = array<i32>} : memref<128x64xf32, #tpu.memory_space<vmem>>, vector<1x16xf32>,
      %swap3A_85 = vector.shape_cast %swap3A_84 : vector<1x16xf32> to vector<16xf32>
      %swap3A_86 = vector.shape_cast %mul3A_81 : vector<16xf32> to vector<1x16xf32>
      tpu.vector_store %arg8[%swap3A_82, %swap3A_83], %swap3A_86 {strides = array<i32>} : memref<128x64xf32, #tpu.memory_space<vmem>>, vector<1x16xf32>,
      %add3A_87 = arith.addf %scan3A_68#2, %scan3A_68#6 : vector<16xf32>
      %mul3A_88 = arith.constant 5.000000e-03 : f32
      %mul3A_89 = vector.broadcast %mul3A_88 : f32 to vector<16xf32>
      %mul3A_90 = arith.mulf %add3A_87, %mul3A_89 : vector<16xf32>
      %swap3A_91 = arith.index_cast %mul3A_44 : i32 to index
      %swap3A_92 = arith.constant 32 : index
      %swap3A_93 = tpu.vector_load %arg8[%swap3A_91, %swap3A_92] {strides = array<i32>} : memref<128x64xf32, #tpu.memory_space<vmem>>, vector<1x16xf32>,
      %swap3A_94 = vector.shape_cast %swap3A_93 : vector<1x16xf32> to vector<16xf32>
      %swap3A_95 = vector.shape_cast %mul3A_90 : vector<16xf32> to vector<1x16xf32>
      tpu.vector_store %arg8[%swap3A_91, %swap3A_92], %swap3A_95 {strides = array<i32>} : memref<128x64xf32, #tpu.memory_space<vmem>>, vector<1x16xf32>,
      %add3A_96 = arith.addf %scan3A_68#3, %scan3A_68#7 : vector<16xf32>
      %mul3A_97 = arith.constant 5.000000e-03 : f32
      %mul3A_98 = vector.broadcast %mul3A_97 : f32 to vector<16xf32>
      %mul3A_99 = arith.mulf %add3A_96, %mul3A_98 : vector<16xf32>
      %swap3A_100 = arith.index_cast %mul3A_44 : i32 to index
      %swap3A_101 = arith.constant 48 : index
      %swap3A_102 = tpu.vector_load %arg8[%swap3A_100, %swap3A_101] {strides = array<i32>} : memref<128x64xf32, #tpu.memory_space<vmem>>, vector<1x16xf32>,
      %swap3A_103 = vector.shape_cast %swap3A_102 : vector<1x16xf32> to vector<16xf32>
      %swap3A_104 = vector.shape_cast %mul3A_99 : vector<16xf32> to vector<1x16xf32>
      tpu.vector_store %arg8[%swap3A_100, %swap3A_101], %swap3A_104 {strides = array<i32>} : memref<128x64xf32, #tpu.memory_space<vmem>>, vector<1x16xf32>,
      %lt3A = arith.constant 63 : i32
      %lt3A_105 = arith.cmpi slt, %scan3A_42, %lt3A : i32
      %convert_element_type3A = arith.extui %lt3A_105 : i1 to i32
      %cond3A = arith.constant 0 : i32
      %cond3A_106 = arith.cmpi ne, %convert_element_type3A, %cond3A : i32
      scf.if %cond3A_106 {
        %add3A_179 = arith.constant 2 : i32
        %add3A_180 = arith.addi %mul3A_44, %add3A_179 : i32
        %mul3A_181 = arith.constant 200 : i32
        %mul3A_182 = arith.muli %add3A_180, %mul3A_181 : i32
        %multiple_of3A_183 = tpu.assume_multiple %mul3A_182, 8 : i32
        %add3A_184 = arith.constant 128 : i32
        %add3A_185 = arith.addi %multiple_of3A_183, %add3A_184 : i32
        %dma_start3A_186 = arith.constant 0 : i32
        %dma_start3A_187 = arith.constant 0 : i32
        %dma_start3A_188 = tpu.memref_slice %arg6[%dma_start3A_186, %dma_start3A_187] : memref<200x64xf32, #tpu.memory_space<vmem>> -> memref<128x64xf32, #tpu.memory_space<vmem>>
        %dma_start3A_189 = tpu.memref_slice %arg5[%multiple_of3A_183] : memref<25600xi32, #tpu.memory_space<vmem>> -> memref<128xi32, #tpu.memory_space<vmem>>
        %dma_start3A_190 = arith.constant 0 : i32
        %dma_start3A_191 = arith.constant 0 : i32
        %dma_start3A_192 = tpu.memref_slice %arg3[%dma_start3A_190, %dma_start3A_191] : memref<1000000x64xf32, #tpu.memory_space<hbm>> -> memref<1000000x64xf32, #tpu.memory_space<hbm>>
        tpu.enqueue_indirect_dma source(%dma_start3A_192 : memref<1000000x64xf32, #tpu.memory_space<hbm>>) target(%dma_start3A_188 : memref<128x64xf32, #tpu.memory_space<vmem>>) offsets(%dma_start3A_189 : memref<128xi32, #tpu.memory_space<vmem>>) semaphore(%arg9 : memref<!tpu.dma_semaphore, #tpu.memory_space<semaphore_mem>>)
        %dma_start3A_193 = arith.constant 128 : i32
        %dma_start3A_194 = arith.constant 0 : i32
        %dma_start3A_195 = tpu.memref_slice %arg6[%dma_start3A_193, %dma_start3A_194] : memref<200x64xf32, #tpu.memory_space<vmem>> -> memref<72x64xf32, #tpu.memory_space<vmem>>
        %dma_start3A_196 = tpu.memref_slice %arg5[%add3A_185] : memref<25600xi32, #tpu.memory_space<vmem>> -> memref<72xi32, #tpu.memory_space<vmem>>
        %dma_start3A_197 = arith.constant 0 : i32
        %dma_start3A_198 = arith.constant 0 : i32
        %dma_start3A_199 = tpu.memref_slice %arg3[%dma_start3A_197, %dma_start3A_198] : memref<1000000x64xf32, #tpu.memory_space<hbm>> -> memref<1000000x64xf32, #tpu.memory_space<hbm>>
        tpu.enqueue_indirect_dma source(%dma_start3A_199 : memref<1000000x64xf32, #tpu.memory_space<hbm>>) target(%dma_start3A_195 : memref<72x64xf32, #tpu.memory_space<vmem>>) offsets(%dma_start3A_196 : memref<72xi32, #tpu.memory_space<vmem>>) semaphore(%arg9 : memref<!tpu.dma_semaphore, #tpu.memory_space<semaphore_mem>>)
      } else {
      }
      %add3A_107 = arith.constant 1 : i32
      %add3A_108 = arith.addi %mul3A_44, %add3A_107 : i32
      %mul3A_109 = arith.constant 200 : i32
      %mul3A_110 = arith.muli %add3A_108, %mul3A_109 : i32
      %multiple_of3A_111 = tpu.assume_multiple %mul3A_110, 8 : i32
      %add3A_112 = arith.constant 128 : i32
      %add3A_113 = arith.addi %multiple_of3A_111, %add3A_112 : i32
      %dma_wait3A_114 = arith.constant 0 : i32
      %dma_wait3A_115 = arith.constant 0 : i32
      %dma_wait3A_116 = tpu.memref_slice %arg7[%dma_wait3A_114, %dma_wait3A_115] : memref<200x64xf32, #tpu.memory_space<vmem>> -> memref<128x64xf32, #tpu.memory_space<vmem>>
      %dma_wait3A_117 = tpu.memref_slice %arg5[%multiple_of3A_111] : memref<25600xi32, #tpu.memory_space<vmem>> -> memref<128xi32, #tpu.memory_space<vmem>>
      %dma_wait3A_118 = arith.constant 0 : i32
      %dma_wait3A_119 = arith.constant 0 : i32
      %dma_wait3A_120 = tpu.memref_slice %arg3[%dma_wait3A_118, %dma_wait3A_119] : memref<1000000x64xf32, #tpu.memory_space<hbm>> -> memref<1000000x64xf32, #tpu.memory_space<hbm>>
      tpu.wait_indirect_dma semaphore(%arg10 : memref<!tpu.dma_semaphore, #tpu.memory_space<semaphore_mem>>) src(%dma_wait3A_120 : memref<1000000x64xf32, #tpu.memory_space<hbm>>) dst(%dma_wait3A_116 : memref<128x64xf32, #tpu.memory_space<vmem>>)
      %dma_wait3A_121 = arith.constant 128 : i32
      %dma_wait3A_122 = arith.constant 0 : i32
      %dma_wait3A_123 = tpu.memref_slice %arg7[%dma_wait3A_121, %dma_wait3A_122] : memref<200x64xf32, #tpu.memory_space<vmem>> -> memref<72x64xf32, #tpu.memory_space<vmem>>
      %dma_wait3A_124 = tpu.memref_slice %arg5[%add3A_113] : memref<25600xi32, #tpu.memory_space<vmem>> -> memref<72xi32, #tpu.memory_space<vmem>>
      %dma_wait3A_125 = arith.constant 0 : i32
      %dma_wait3A_126 = arith.constant 0 : i32
      %dma_wait3A_127 = tpu.memref_slice %arg3[%dma_wait3A_125, %dma_wait3A_126] : memref<1000000x64xf32, #tpu.memory_space<hbm>> -> memref<1000000x64xf32, #tpu.memory_space<hbm>>
      tpu.wait_indirect_dma semaphore(%arg10 : memref<!tpu.dma_semaphore, #tpu.memory_space<semaphore_mem>>) src(%dma_wait3A_127 : memref<1000000x64xf32, #tpu.memory_space<hbm>>) dst(%dma_wait3A_123 : memref<72x64xf32, #tpu.memory_space<vmem>>)
      %add3A_128 = arith.constant 1 : i32
      %add3A_129 = arith.addi %mul3A_44, %add3A_128 : i32
      %broadcast_in_dim3A_130 = arith.constant 0.000000e+00 : f32
      %broadcast_in_dim3A_131 = vector.broadcast %broadcast_in_dim3A_130 : f32 to vector<16xf32>
      %scan3A_132 = arith.constant 0 : i32
      %scan3A_133 = arith.constant 25 : i32
      %scan3A_134 = arith.addi %scan3A_132, %scan3A_133 : i32
      %scan3A_135 = arith.constant 1 : i32
      %scan3A_136:8 = scf.for %scan3A_179 = %scan3A_132 to %scan3A_134 step %scan3A_135 iter_args(%scan3A_180 = %broadcast_in_dim3A_131, %scan3A_181 = %broadcast_in_dim3A_131, %scan3A_182 = %broadcast_in_dim3A_131, %scan3A_183 = %broadcast_in_dim3A_131, %scan3A_184 = %broadcast_in_dim3A_131, %scan3A_185 = %broadcast_in_dim3A_131, %scan3A_186 = %broadcast_in_dim3A_131, %scan3A_187 = %broadcast_in_dim3A_131) -> (vector<16xf32>, vector<16xf32>, vector<16xf32>, vector<16xf32>, vector<16xf32>, vector<16xf32>, vector<16xf32>, vector<16xf32>)  : i32 {
        %mul3A_188 = arith.constant 8 : i32
        %mul3A_189 = arith.muli %scan3A_179, %mul3A_188 : i32
        %add3A_190 = arith.constant 0 : i32
        %add3A_191 = arith.addi %mul3A_189, %add3A_190 : i32
        %get3A = arith.index_cast %add3A_191 : i32 to index
        %get3A_192 = arith.constant 0 : index
        %get3A_193 = tpu.vector_load %arg7[%get3A, %get3A_192] {strides = array<i32>} : memref<200x64xf32, #tpu.memory_space<vmem>>, vector<1x16xf32>,
        %get3A_194 = vector.shape_cast %get3A_193 : vector<1x16xf32> to vector<16xf32>
        %add3A_195 = arith.addf %scan3A_180, %get3A_194 : vector<16xf32>
        %get3A_196 = arith.index_cast %add3A_191 : i32 to index
        %get3A_197 = arith.constant 16 : index
        %get3A_198 = tpu.vector_load %arg7[%get3A_196, %get3A_197] {strides = array<i32>} : memref<200x64xf32, #tpu.memory_space<vmem>>, vector<1x16xf32>,
        %get3A_199 = vector.shape_cast %get3A_198 : vector<1x16xf32> to vector<16xf32>
        %add3A_200 = arith.addf %scan3A_181, %get3A_199 : vector<16xf32>
        %get3A_201 = arith.index_cast %add3A_191 : i32 to index
        %get3A_202 = arith.constant 32 : index
        %get3A_203 = tpu.vector_load %arg7[%get3A_201, %get3A_202] {strides = array<i32>} : memref<200x64xf32, #tpu.memory_space<vmem>>, vector<1x16xf32>,
        %get3A_204 = vector.shape_cast %get3A_203 : vector<1x16xf32> to vector<16xf32>
        %add3A_205 = arith.addf %scan3A_182, %get3A_204 : vector<16xf32>
        %get3A_206 = arith.index_cast %add3A_191 : i32 to index
        %get3A_207 = arith.constant 48 : index
        %get3A_208 = tpu.vector_load %arg7[%get3A_206, %get3A_207] {strides = array<i32>} : memref<200x64xf32, #tpu.memory_space<vmem>>, vector<1x16xf32>,
        %get3A_209 = vector.shape_cast %get3A_208 : vector<1x16xf32> to vector<16xf32>
        %add3A_210 = arith.addf %scan3A_183, %get3A_209 : vector<16xf32>
        %mul3A_211 = arith.constant 8 : i32
        %mul3A_212 = arith.muli %scan3A_179, %mul3A_211 : i32
        %add3A_213 = arith.constant 1 : i32
        %add3A_214 = arith.addi %mul3A_212, %add3A_213 : i32
        %get3A_215 = arith.index_cast %add3A_214 : i32 to index
        %get3A_216 = arith.constant 0 : index
        %get3A_217 = tpu.vector_load %arg7[%get3A_215, %get3A_216] {strides = array<i32>} : memref<200x64xf32, #tpu.memory_space<vmem>>, vector<1x16xf32>,
        %get3A_218 = vector.shape_cast %get3A_217 : vector<1x16xf32> to vector<16xf32>
        %add3A_219 = arith.addf %scan3A_184, %get3A_218 : vector<16xf32>
        %get3A_220 = arith.index_cast %add3A_214 : i32 to index
        %get3A_221 = arith.constant 16 : index
        %get3A_222 = tpu.vector_load %arg7[%get3A_220, %get3A_221] {strides = array<i32>} : memref<200x64xf32, #tpu.memory_space<vmem>>, vector<1x16xf32>,
        %get3A_223 = vector.shape_cast %get3A_222 : vector<1x16xf32> to vector<16xf32>
        %add3A_224 = arith.addf %scan3A_185, %get3A_223 : vector<16xf32>
        %get3A_225 = arith.index_cast %add3A_214 : i32 to index
        %get3A_226 = arith.constant 32 : index
        %get3A_227 = tpu.vector_load %arg7[%get3A_225, %get3A_226] {strides = array<i32>} : memref<200x64xf32, #tpu.memory_space<vmem>>, vector<1x16xf32>,
        %get3A_228 = vector.shape_cast %get3A_227 : vector<1x16xf32> to vector<16xf32>
        %add3A_229 = arith.addf %scan3A_186, %get3A_228 : vector<16xf32>
        %get3A_230 = arith.index_cast %add3A_214 : i32 to index
        %get3A_231 = arith.constant 48 : index
        %get3A_232 = tpu.vector_load %arg7[%get3A_230, %get3A_231] {strides = array<i32>} : memref<200x64xf32, #tpu.memory_space<vmem>>, vector<1x16xf32>,
        %get3A_233 = vector.shape_cast %get3A_232 : vector<1x16xf32> to vector<16xf32>
        %add3A_234 = arith.addf %scan3A_187, %get3A_233 : vector<16xf32>
        %mul3A_235 = arith.constant 8 : i32
        %mul3A_236 = arith.muli %scan3A_179, %mul3A_235 : i32
        %add3A_237 = arith.constant 2 : i32
        %add3A_238 = arith.addi %mul3A_236, %add3A_237 : i32
        %get3A_239 = arith.index_cast %add3A_238 : i32 to index
        %get3A_240 = arith.constant 0 : index
        %get3A_241 = tpu.vector_load %arg7[%get3A_239, %get3A_240] {strides = array<i32>} : memref<200x64xf32, #tpu.memory_space<vmem>>, vector<1x16xf32>,
        %get3A_242 = vector.shape_cast %get3A_241 : vector<1x16xf32> to vector<16xf32>
        %add3A_243 = arith.addf %add3A_195, %get3A_242 : vector<16xf32>
        %get3A_244 = arith.index_cast %add3A_238 : i32 to index
        %get3A_245 = arith.constant 16 : index
        %get3A_246 = tpu.vector_load %arg7[%get3A_244, %get3A_245] {strides = array<i32>} : memref<200x64xf32, #tpu.memory_space<vmem>>, vector<1x16xf32>,
        %get3A_247 = vector.shape_cast %get3A_246 : vector<1x16xf32> to vector<16xf32>
        %add3A_248 = arith.addf %add3A_200, %get3A_247 : vector<16xf32>
        %get3A_249 = arith.index_cast %add3A_238 : i32 to index
        %get3A_250 = arith.constant 32 : index
        %get3A_251 = tpu.vector_load %arg7[%get3A_249, %get3A_250] {strides = array<i32>} : memref<200x64xf32, #tpu.memory_space<vmem>>, vector<1x16xf32>,
        %get3A_252 = vector.shape_cast %get3A_251 : vector<1x16xf32> to vector<16xf32>
        %add3A_253 = arith.addf %add3A_205, %get3A_252 : vector<16xf32>
        %get3A_254 = arith.index_cast %add3A_238 : i32 to index
        %get3A_255 = arith.constant 48 : index
        %get3A_256 = tpu.vector_load %arg7[%get3A_254, %get3A_255] {strides = array<i32>} : memref<200x64xf32, #tpu.memory_space<vmem>>, vector<1x16xf32>,
        %get3A_257 = vector.shape_cast %get3A_256 : vector<1x16xf32> to vector<16xf32>
        %add3A_258 = arith.addf %add3A_210, %get3A_257 : vector<16xf32>
        %mul3A_259 = arith.constant 8 : i32
        %mul3A_260 = arith.muli %scan3A_179, %mul3A_259 : i32
        %add3A_261 = arith.constant 3 : i32
        %add3A_262 = arith.addi %mul3A_260, %add3A_261 : i32
        %get3A_263 = arith.index_cast %add3A_262 : i32 to index
        %get3A_264 = arith.constant 0 : index
        %get3A_265 = tpu.vector_load %arg7[%get3A_263, %get3A_264] {strides = array<i32>} : memref<200x64xf32, #tpu.memory_space<vmem>>, vector<1x16xf32>,
        %get3A_266 = vector.shape_cast %get3A_265 : vector<1x16xf32> to vector<16xf32>
        %add3A_267 = arith.addf %add3A_219, %get3A_266 : vector<16xf32>
        %get3A_268 = arith.index_cast %add3A_262 : i32 to index
        %get3A_269 = arith.constant 16 : index
        %get3A_270 = tpu.vector_load %arg7[%get3A_268, %get3A_269] {strides = array<i32>} : memref<200x64xf32, #tpu.memory_space<vmem>>, vector<1x16xf32>,
        %get3A_271 = vector.shape_cast %get3A_270 : vector<1x16xf32> to vector<16xf32>
        %add3A_272 = arith.addf %add3A_224, %get3A_271 : vector<16xf32>
        %get3A_273 = arith.index_cast %add3A_262 : i32 to index
        %get3A_274 = arith.constant 32 : index
        %get3A_275 = tpu.vector_load %arg7[%get3A_273, %get3A_274] {strides = array<i32>} : memref<200x64xf32, #tpu.memory_space<vmem>>, vector<1x16xf32>,
        %get3A_276 = vector.shape_cast %get3A_275 : vector<1x16xf32> to vector<16xf32>
        %add3A_277 = arith.addf %add3A_229, %get3A_276 : vector<16xf32>
        %get3A_278 = arith.index_cast %add3A_262 : i32 to index
        %get3A_279 = arith.constant 48 : index
        %get3A_280 = tpu.vector_load %arg7[%get3A_278, %get3A_279] {strides = array<i32>} : memref<200x64xf32, #tpu.memory_space<vmem>>, vector<1x16xf32>,
        %get3A_281 = vector.shape_cast %get3A_280 : vector<1x16xf32> to vector<16xf32>
        %add3A_282 = arith.addf %add3A_234, %get3A_281 : vector<16xf32>
        %mul3A_283 = arith.constant 8 : i32
        %mul3A_284 = arith.muli %scan3A_179, %mul3A_283 : i32
        %add3A_285 = arith.constant 4 : i32
        %add3A_286 = arith.addi %mul3A_284, %add3A_285 : i32
        %get3A_287 = arith.index_cast %add3A_286 : i32 to index
        %get3A_288 = arith.constant 0 : index
        %get3A_289 = tpu.vector_load %arg7[%get3A_287, %get3A_288] {strides = array<i32>} : memref<200x64xf32, #tpu.memory_space<vmem>>, vector<1x16xf32>,
        %get3A_290 = vector.shape_cast %get3A_289 : vector<1x16xf32> to vector<16xf32>
        %add3A_291 = arith.addf %add3A_243, %get3A_290 : vector<16xf32>
        %get3A_292 = arith.index_cast %add3A_286 : i32 to index
        %get3A_293 = arith.constant 16 : index
        %get3A_294 = tpu.vector_load %arg7[%get3A_292, %get3A_293] {strides = array<i32>} : memref<200x64xf32, #tpu.memory_space<vmem>>, vector<1x16xf32>,
        %get3A_295 = vector.shape_cast %get3A_294 : vector<1x16xf32> to vector<16xf32>
        %add3A_296 = arith.addf %add3A_248, %get3A_295 : vector<16xf32>
        %get3A_297 = arith.index_cast %add3A_286 : i32 to index
        %get3A_298 = arith.constant 32 : index
        %get3A_299 = tpu.vector_load %arg7[%get3A_297, %get3A_298] {strides = array<i32>} : memref<200x64xf32, #tpu.memory_space<vmem>>, vector<1x16xf32>,
        %get3A_300 = vector.shape_cast %get3A_299 : vector<1x16xf32> to vector<16xf32>
        %add3A_301 = arith.addf %add3A_253, %get3A_300 : vector<16xf32>
        %get3A_302 = arith.index_cast %add3A_286 : i32 to index
        %get3A_303 = arith.constant 48 : index
        %get3A_304 = tpu.vector_load %arg7[%get3A_302, %get3A_303] {strides = array<i32>} : memref<200x64xf32, #tpu.memory_space<vmem>>, vector<1x16xf32>,
        %get3A_305 = vector.shape_cast %get3A_304 : vector<1x16xf32> to vector<16xf32>
        %add3A_306 = arith.addf %add3A_258, %get3A_305 : vector<16xf32>
        %mul3A_307 = arith.constant 8 : i32
        %mul3A_308 = arith.muli %scan3A_179, %mul3A_307 : i32
        %add3A_309 = arith.constant 5 : i32
        %add3A_310 = arith.addi %mul3A_308, %add3A_309 : i32
        %get3A_311 = arith.index_cast %add3A_310 : i32 to index
        %get3A_312 = arith.constant 0 : index
        %get3A_313 = tpu.vector_load %arg7[%get3A_311, %get3A_312] {strides = array<i32>} : memref<200x64xf32, #tpu.memory_space<vmem>>, vector<1x16xf32>,
        %get3A_314 = vector.shape_cast %get3A_313 : vector<1x16xf32> to vector<16xf32>
        %add3A_315 = arith.addf %add3A_267, %get3A_314 : vector<16xf32>
        %get3A_316 = arith.index_cast %add3A_310 : i32 to index
        %get3A_317 = arith.constant 16 : index
        %get3A_318 = tpu.vector_load %arg7[%get3A_316, %get3A_317] {strides = array<i32>} : memref<200x64xf32, #tpu.memory_space<vmem>>, vector<1x16xf32>,
        %get3A_319 = vector.shape_cast %get3A_318 : vector<1x16xf32> to vector<16xf32>
        %add3A_320 = arith.addf %add3A_272, %get3A_319 : vector<16xf32>
        %get3A_321 = arith.index_cast %add3A_310 : i32 to index
        %get3A_322 = arith.constant 32 : index
        %get3A_323 = tpu.vector_load %arg7[%get3A_321, %get3A_322] {strides = array<i32>} : memref<200x64xf32, #tpu.memory_space<vmem>>, vector<1x16xf32>,
        %get3A_324 = vector.shape_cast %get3A_323 : vector<1x16xf32> to vector<16xf32>
        %add3A_325 = arith.addf %add3A_277, %get3A_324 : vector<16xf32>
        %get3A_326 = arith.index_cast %add3A_310 : i32 to index
        %get3A_327 = arith.constant 48 : index
        %get3A_328 = tpu.vector_load %arg7[%get3A_326, %get3A_327] {strides = array<i32>} : memref<200x64xf32, #tpu.memory_space<vmem>>, vector<1x16xf32>,
        %get3A_329 = vector.shape_cast %get3A_328 : vector<1x16xf32> to vector<16xf32>
        %add3A_330 = arith.addf %add3A_282, %get3A_329 : vector<16xf32>
        %mul3A_331 = arith.constant 8 : i32
        %mul3A_332 = arith.muli %scan3A_179, %mul3A_331 : i32
        %add3A_333 = arith.constant 6 : i32
        %add3A_334 = arith.addi %mul3A_332, %add3A_333 : i32
        %get3A_335 = arith.index_cast %add3A_334 : i32 to index
        %get3A_336 = arith.constant 0 : index
        %get3A_337 = tpu.vector_load %arg7[%get3A_335, %get3A_336] {strides = array<i32>} : memref<200x64xf32, #tpu.memory_space<vmem>>, vector<1x16xf32>,
        %get3A_338 = vector.shape_cast %get3A_337 : vector<1x16xf32> to vector<16xf32>
        %add3A_339 = arith.addf %add3A_291, %get3A_338 : vector<16xf32>
        %get3A_340 = arith.index_cast %add3A_334 : i32 to index
        %get3A_341 = arith.constant 16 : index
        %get3A_342 = tpu.vector_load %arg7[%get3A_340, %get3A_341] {strides = array<i32>} : memref<200x64xf32, #tpu.memory_space<vmem>>, vector<1x16xf32>,
        %get3A_343 = vector.shape_cast %get3A_342 : vector<1x16xf32> to vector<16xf32>
        %add3A_344 = arith.addf %add3A_296, %get3A_343 : vector<16xf32>
        %get3A_345 = arith.index_cast %add3A_334 : i32 to index
        %get3A_346 = arith.constant 32 : index
        %get3A_347 = tpu.vector_load %arg7[%get3A_345, %get3A_346] {strides = array<i32>} : memref<200x64xf32, #tpu.memory_space<vmem>>, vector<1x16xf32>,
        %get3A_348 = vector.shape_cast %get3A_347 : vector<1x16xf32> to vector<16xf32>
        %add3A_349 = arith.addf %add3A_301, %get3A_348 : vector<16xf32>
        %get3A_350 = arith.index_cast %add3A_334 : i32 to index
        %get3A_351 = arith.constant 48 : index
        %get3A_352 = tpu.vector_load %arg7[%get3A_350, %get3A_351] {strides = array<i32>} : memref<200x64xf32, #tpu.memory_space<vmem>>, vector<1x16xf32>,
        %get3A_353 = vector.shape_cast %get3A_352 : vector<1x16xf32> to vector<16xf32>
        %add3A_354 = arith.addf %add3A_306, %get3A_353 : vector<16xf32>
        %mul3A_355 = arith.constant 8 : i32
        %mul3A_356 = arith.muli %scan3A_179, %mul3A_355 : i32
        %add3A_357 = arith.constant 7 : i32
        %add3A_358 = arith.addi %mul3A_356, %add3A_357 : i32
        %get3A_359 = arith.index_cast %add3A_358 : i32 to index
        %get3A_360 = arith.constant 0 : index
        %get3A_361 = tpu.vector_load %arg7[%get3A_359, %get3A_360] {strides = array<i32>} : memref<200x64xf32, #tpu.memory_space<vmem>>, vector<1x16xf32>,
        %get3A_362 = vector.shape_cast %get3A_361 : vector<1x16xf32> to vector<16xf32>
        %add3A_363 = arith.addf %add3A_315, %get3A_362 : vector<16xf32>
        %get3A_364 = arith.index_cast %add3A_358 : i32 to index
        %get3A_365 = arith.constant 16 : index
        %get3A_366 = tpu.vector_load %arg7[%get3A_364, %get3A_365] {strides = array<i32>} : memref<200x64xf32, #tpu.memory_space<vmem>>, vector<1x16xf32>,
        %get3A_367 = vector.shape_cast %get3A_366 : vector<1x16xf32> to vector<16xf32>
        %add3A_368 = arith.addf %add3A_320, %get3A_367 : vector<16xf32>
        %get3A_369 = arith.index_cast %add3A_358 : i32 to index
        %get3A_370 = arith.constant 32 : index
        %get3A_371 = tpu.vector_load %arg7[%get3A_369, %get3A_370] {strides = array<i32>} : memref<200x64xf32, #tpu.memory_space<vmem>>, vector<1x16xf32>,
        %get3A_372 = vector.shape_cast %get3A_371 : vector<1x16xf32> to vector<16xf32>
        %add3A_373 = arith.addf %add3A_325, %get3A_372 : vector<16xf32>
        %get3A_374 = arith.index_cast %add3A_358 : i32 to index
        %get3A_375 = arith.constant 48 : index
        %get3A_376 = tpu.vector_load %arg7[%get3A_374, %get3A_375] {strides = array<i32>} : memref<200x64xf32, #tpu.memory_space<vmem>>, vector<1x16xf32>,
        %get3A_377 = vector.shape_cast %get3A_376 : vector<1x16xf32> to vector<16xf32>
        %add3A_378 = arith.addf %add3A_330, %get3A_377 : vector<16xf32>
        scf.yield %add3A_339, %add3A_344, %add3A_349, %add3A_354, %add3A_363, %add3A_368, %add3A_373, %add3A_378 : vector<16xf32>, vector<16xf32>, vector<16xf32>, vector<16xf32>, vector<16xf32>, vector<16xf32>, vector<16xf32>, vector<16xf32>
      }
      %scan3A_137 = arith.constant 25 : i32
      %add3A_138 = arith.addf %scan3A_136#0, %scan3A_136#4 : vector<16xf32>
      %mul3A_139 = arith.constant 5.000000e-03 : f32
      %mul3A_140 = vector.broadcast %mul3A_139 : f32 to vector<16xf32>
      %mul3A_141 = arith.mulf %add3A_138, %mul3A_140 : vector<16xf32>
      %swap3A_142 = arith.index_cast %add3A_129 : i32 to index
      %swap3A_143 = arith.constant 0 : index
      %swap3A_144 = tpu.vector_load %arg8[%swap3A_142, %swap3A_143] {strides = array<i32>} : memref<128x64xf32, #tpu.memory_space<vmem>>, vector<1x16xf32>,
      %swap3A_145 = vector.shape_cast %swap3A_144 : vector<1x16xf32> to vector<16xf32>
      %swap3A_146 = vector.shape_cast %mul3A_141 : vector<16xf32> to vector<1x16xf32>
      tpu.vector_store %arg8[%swap3A_142, %swap3A_143], %swap3A_146 {strides = array<i32>} : memref<128x64xf32, #tpu.memory_space<vmem>>, vector<1x16xf32>,
      %add3A_147 = arith.addf %scan3A_136#1, %scan3A_136#5 : vector<16xf32>
      %mul3A_148 = arith.constant 5.000000e-03 : f32
      %mul3A_149 = vector.broadcast %mul3A_148 : f32 to vector<16xf32>
      %mul3A_150 = arith.mulf %add3A_147, %mul3A_149 : vector<16xf32>
      %swap3A_151 = arith.index_cast %add3A_129 : i32 to index
      %swap3A_152 = arith.constant 16 : index
      %swap3A_153 = tpu.vector_load %arg8[%swap3A_151, %swap3A_152] {strides = array<i32>} : memref<128x64xf32, #tpu.memory_space<vmem>>, vector<1x16xf32>,
      %swap3A_154 = vector.shape_cast %swap3A_153 : vector<1x16xf32> to vector<16xf32>
      %swap3A_155 = vector.shape_cast %mul3A_150 : vector<16xf32> to vector<1x16xf32>
      tpu.vector_store %arg8[%swap3A_151, %swap3A_152], %swap3A_155 {strides = array<i32>} : memref<128x64xf32, #tpu.memory_space<vmem>>, vector<1x16xf32>,
      %add3A_156 = arith.addf %scan3A_136#2, %scan3A_136#6 : vector<16xf32>
      %mul3A_157 = arith.constant 5.000000e-03 : f32
      %mul3A_158 = vector.broadcast %mul3A_157 : f32 to vector<16xf32>
      %mul3A_159 = arith.mulf %add3A_156, %mul3A_158 : vector<16xf32>
      %swap3A_160 = arith.index_cast %add3A_129 : i32 to index
      %swap3A_161 = arith.constant 32 : index
      %swap3A_162 = tpu.vector_load %arg8[%swap3A_160, %swap3A_161] {strides = array<i32>} : memref<128x64xf32, #tpu.memory_space<vmem>>, vector<1x16xf32>,
      %swap3A_163 = vector.shape_cast %swap3A_162 : vector<1x16xf32> to vector<16xf32>
      %swap3A_164 = vector.shape_cast %mul3A_159 : vector<16xf32> to vector<1x16xf32>
      tpu.vector_store %arg8[%swap3A_160, %swap3A_161], %swap3A_164 {strides = array<i32>} : memref<128x64xf32, #tpu.memory_space<vmem>>, vector<1x16xf32>,
      %add3A_165 = arith.addf %scan3A_136#3, %scan3A_136#7 : vector<16xf32>
      %mul3A_166 = arith.constant 5.000000e-03 : f32
      %mul3A_167 = vector.broadcast %mul3A_166 : f32 to vector<16xf32>
      %mul3A_168 = arith.mulf %add3A_165, %mul3A_167 : vector<16xf32>
      %swap3A_169 = arith.index_cast %add3A_129 : i32 to index
      %swap3A_170 = arith.constant 48 : index
      %swap3A_171 = tpu.vector_load %arg8[%swap3A_169, %swap3A_170] {strides = array<i32>} : memref<128x64xf32, #tpu.memory_space<vmem>>, vector<1x16xf32>,
      %swap3A_172 = vector.shape_cast %swap3A_171 : vector<1x16xf32> to vector<16xf32>
      %swap3A_173 = vector.shape_cast %mul3A_168 : vector<16xf32> to vector<1x16xf32>
      tpu.vector_store %arg8[%swap3A_169, %swap3A_170], %swap3A_173 {strides = array<i32>} : memref<128x64xf32, #tpu.memory_space<vmem>>, vector<1x16xf32>,
      %lt3A_174 = arith.constant 63 : i32
      %lt3A_175 = arith.cmpi slt, %scan3A_42, %lt3A_174 : i32
      %convert_element_type3A_176 = arith.extui %lt3A_175 : i1 to i32
      %cond3A_177 = arith.constant 0 : i32
      %cond3A_178 = arith.cmpi ne, %convert_element_type3A_176, %cond3A_177 : i32
      scf.if %cond3A_178 {
        %add3A_179 = arith.constant 3 : i32
        %add3A_180 = arith.addi %mul3A_44, %add3A_179 : i32
        %mul3A_181 = arith.constant 200 : i32
        %mul3A_182 = arith.muli %add3A_180, %mul3A_181 : i32
        %multiple_of3A_183 = tpu.assume_multiple %mul3A_182, 8 : i32
        %add3A_184 = arith.constant 128 : i32
        %add3A_185 = arith.addi %multiple_of3A_183, %add3A_184 : i32
        %dma_start3A_186 = arith.constant 0 : i32
        %dma_start3A_187 = arith.constant 0 : i32
        %dma_start3A_188 = tpu.memref_slice %arg7[%dma_start3A_186, %dma_start3A_187] : memref<200x64xf32, #tpu.memory_space<vmem>> -> memref<128x64xf32, #tpu.memory_space<vmem>>
        %dma_start3A_189 = tpu.memref_slice %arg5[%multiple_of3A_183] : memref<25600xi32, #tpu.memory_space<vmem>> -> memref<128xi32, #tpu.memory_space<vmem>>
        %dma_start3A_190 = arith.constant 0 : i32
        %dma_start3A_191 = arith.constant 0 : i32
        %dma_start3A_192 = tpu.memref_slice %arg3[%dma_start3A_190, %dma_start3A_191] : memref<1000000x64xf32, #tpu.memory_space<hbm>> -> memref<1000000x64xf32, #tpu.memory_space<hbm>>
        tpu.enqueue_indirect_dma source(%dma_start3A_192 : memref<1000000x64xf32, #tpu.memory_space<hbm>>) target(%dma_start3A_188 : memref<128x64xf32, #tpu.memory_space<vmem>>) offsets(%dma_start3A_189 : memref<128xi32, #tpu.memory_space<vmem>>) semaphore(%arg10 : memref<!tpu.dma_semaphore, #tpu.memory_space<semaphore_mem>>)
        %dma_start3A_193 = arith.constant 128 : i32
        %dma_start3A_194 = arith.constant 0 : i32
        %dma_start3A_195 = tpu.memref_slice %arg7[%dma_start3A_193, %dma_start3A_194] : memref<200x64xf32, #tpu.memory_space<vmem>> -> memref<72x64xf32, #tpu.memory_space<vmem>>
        %dma_start3A_196 = tpu.memref_slice %arg5[%add3A_185] : memref<25600xi32, #tpu.memory_space<vmem>> -> memref<72xi32, #tpu.memory_space<vmem>>
        %dma_start3A_197 = arith.constant 0 : i32
        %dma_start3A_198 = arith.constant 0 : i32
        %dma_start3A_199 = tpu.memref_slice %arg3[%dma_start3A_197, %dma_start3A_198] : memref<1000000x64xf32, #tpu.memory_space<hbm>> -> memref<1000000x64xf32, #tpu.memory_space<hbm>>
        tpu.enqueue_indirect_dma source(%dma_start3A_199 : memref<1000000x64xf32, #tpu.memory_space<hbm>>) target(%dma_start3A_195 : memref<72x64xf32, #tpu.memory_space<vmem>>) offsets(%dma_start3A_196 : memref<72xi32, #tpu.memory_space<vmem>>) semaphore(%arg10 : memref<!tpu.dma_semaphore, #tpu.memory_space<semaphore_mem>>)
      } else {
      }
    }
    %scan3A_41 = arith.constant 64 : i32
    "tpu.region"() ({
      %run_scoped3A = tpu.sem_alloc : memref<!tpu.dma_semaphore, #tpu.memory_space<semaphore_mem>>
      %dma_start3A_42 = arith.constant 0 : i32
      %dma_start3A_43 = tpu.memref_slice %arg4[%mul3A_2, %dma_start3A_42] : memref<4096x64xf32, #tpu.memory_space<hbm>> -> memref<128x64xf32, #tpu.memory_space<hbm>>
      %dma_start3A_44 = arith.constant 0 : i32
      %dma_start3A_45 = tpu.memref_slice %arg4[%mul3A_2, %dma_start3A_44] : memref<4096x64xf32, #tpu.memory_space<hbm>> -> memref<128x64xf32, #tpu.memory_space<hbm>>
      tpu.enqueue_dma source(%arg8 : memref<128x64xf32, #tpu.memory_space<vmem>>) target(%dma_start3A_45 : memref<128x64xf32, #tpu.memory_space<hbm>>) target_semaphore(%run_scoped3A : memref<!tpu.dma_semaphore, #tpu.memory_space<semaphore_mem>>)
      %dma_wait3A = arith.constant 0 : i32
      %dma_wait3A_46 = tpu.memref_slice %arg4[%mul3A_2, %dma_wait3A] : memref<4096x64xf32, #tpu.memory_space<hbm>> -> memref<128x64xf32, #tpu.memory_space<hbm>>
      %dma_wait3A_47 = arith.constant 0 : i32
      %dma_wait3A_48 = tpu.memref_slice %arg4[%mul3A_2, %dma_wait3A_47] : memref<4096x64xf32, #tpu.memory_space<hbm>> -> memref<128x64xf32, #tpu.memory_space<hbm>>
      tpu.wait_dma2 semaphore(%run_scoped3A : memref<!tpu.dma_semaphore, #tpu.memory_space<semaphore_mem>>) src(%arg8 : memref<128x64xf32, #tpu.memory_space<vmem>>) dst(%dma_wait3A_48 : memref<128x64xf32, #tpu.memory_space<hbm>>)
      tpu.yield
    }) : () -> ()
    return
  }
}

module attributes {stable_mosaic.version = 14 : i64} {
  func.func @_mlp_body(%arg0: memref<4096x64xf32, #tpu.memory_space<vmem>>, %arg1: memref<64x128xf32, #tpu.memory_space<vmem>>, %arg2: memref<1x128xf32, #tpu.memory_space<vmem>>, %arg3: memref<128x128xf32, #tpu.memory_space<vmem>>, %arg4: memref<1x128xf32, #tpu.memory_space<vmem>>, %arg5: memref<4096x128xf32, #tpu.memory_space<vmem>>) attributes {dimension_semantics = [], scalar_prefetch = 0 : i64, scratch_operands = 0 : i64, tpu.core_type = #tpu.core_type<tc>} {
    %get3A = arith.constant 0 : index
    %get3A_0 = arith.constant 0 : index
    %get3A_1 = vector.load %arg0[%get3A, %get3A_0] : memref<4096x64xf32, #tpu.memory_space<vmem>>, vector<4096x64xf32>
    %get3A_2 = arith.constant 0 : index
    %get3A_3 = arith.constant 0 : index
    %get3A_4 = vector.load %arg1[%get3A_2, %get3A_3] : memref<64x128xf32, #tpu.memory_space<vmem>>, vector<64x128xf32>
    %dot_general3A = arith.constant dense<0.000000e+00> : vector<4096x128xf32>
    %dot_general3A_5 = tpu.matmul %get3A_1, %get3A_4, %dot_general3A {dimension_numbers = #tpu.dot_dimension_numbers<[1], [0], [0], [1], [0, 0, 1, 1], [], []>, transpose_lhs_hint = false} : vector<4096x64xf32>, vector<64x128xf32>, vector<4096x128xf32> -> vector<4096x128xf32>
    %get3A_6 = arith.constant 0 : index
    %get3A_7 = arith.constant 0 : index
    %get3A_8 = vector.load %arg2[%get3A_6, %get3A_7] : memref<1x128xf32, #tpu.memory_space<vmem>>, vector<1x128xf32>
    %add3A = vector.broadcast %get3A_8 : vector<1x128xf32> to vector<4096x128xf32>
    %add3A_9 = arith.addf %dot_general3A_5, %add3A : vector<4096x128xf32>
    %max3A = arith.constant 0.000000e+00 : f32
    %max3A_10 = vector.broadcast %max3A : f32 to vector<4096x128xf32>
    %max3A_11 = arith.maximumf %add3A_9, %max3A_10 : vector<4096x128xf32>
    %get3A_12 = arith.constant 0 : index
    %get3A_13 = arith.constant 0 : index
    %get3A_14 = vector.load %arg3[%get3A_12, %get3A_13] : memref<128x128xf32, #tpu.memory_space<vmem>>, vector<128x128xf32>
    %dot_general3A_15 = arith.constant dense<0.000000e+00> : vector<4096x128xf32>
    %dot_general3A_16 = tpu.matmul %max3A_11, %get3A_14, %dot_general3A_15 {dimension_numbers = #tpu.dot_dimension_numbers<[1], [0], [0], [1], [0, 0, 1, 1], [], []>, transpose_lhs_hint = false} : vector<4096x128xf32>, vector<128x128xf32>, vector<4096x128xf32> -> vector<4096x128xf32>
    %get3A_17 = arith.constant 0 : index
    %get3A_18 = arith.constant 0 : index
    %get3A_19 = vector.load %arg4[%get3A_17, %get3A_18] : memref<1x128xf32, #tpu.memory_space<vmem>>, vector<1x128xf32>
    %add3A_20 = vector.broadcast %get3A_19 : vector<1x128xf32> to vector<4096x128xf32>
    %add3A_21 = arith.addf %dot_general3A_16, %add3A_20 : vector<4096x128xf32>
    %swap3A = arith.constant 0 : index
    %swap3A_22 = arith.constant 0 : index
    %swap3A_23 = vector.load %arg5[%swap3A, %swap3A_22] : memref<4096x128xf32, #tpu.memory_space<vmem>>, vector<4096x128xf32>
    tpu.vector_store %arg5[%swap3A, %swap3A_22], %add3A_21 {strides = array<i32>} : memref<4096x128xf32, #tpu.memory_space<vmem>>, vector<4096x128xf32>,
    return
  }
}

</mosaic_0001>

<sc_bundles>
// kernel: kernel.4.cloned.1.call-start
scs
__scs_entry_jumppad:
0x0: {  	(pc) =	sbr.rel $0x88, $3  }
0x1: {  	(tag) =	ssettag $0x0;
	lr =	simm.s32 $0x1  }
0x2: {  	[smem:$0x3F9B] =	sst lr;
	_ =	strace $0xD0000000  }
0x3: {  	_ = 	snop  }
0x4: {  	_ = 	snop  }
0x5: {  	_ = 	snop  }
0x6: {  	_ = 	snop  }
0x7: {  	_ = 	snop  }
__scs_overlays_trampoline_lowered:
0x8: {  	[smem:$0x3FAA] =	sst s0  }
0x9: {  	[smem:$0x3FAB] =	sst s1  }
0xa: {  	[smem:$0x3FAC] =	sst s2  }
0xb: {  	[smem:$0x3FAD] =	sst s3  }
0xc: {  	[smem:$0x3FAE] =	sst s4  }
0xd: {  	[smem:$0x3FAF] =	sst s5  }
0xe: {  	[smem:$0x3FB0] =	sst s6  }
0xf: {  	[smem:$0x3FB1] =	sst s7  }
0x10: {  	[smem:$0x3FB2] =	sst s8  }
0x11: {  	[smem:$0x3FB3] =	sst s9;
	s0 =	simm.s32 @!p0 $0x0  }
0x12: {  	s1 =	sld [smem:$0x3F99];
	s0 =	simm.s32 @p0 $0x1  }
0x13: {  	[smem:$0x3FB4] =	sst s0;
	s0 =	simm.s32 @!p1 $0x0  }
0x14: {  	s2 =	sld [smem:$0x3F98];
	s0 =	simm.s32 @p1 $0x1  }
0x15: {  	[smem:$0x3FB5] =	sst s0;
	s0 =	simm.s32 @!p2 $0x0  }
0x16: {  	s3 =	sld [smem:$0x3FDB];
	s0 =	simm.s32 @p2 $0x1  }
0x17: {  	s4 =	simm.s32 $0x1BF5;
	[smem:$0x3FB7] =	sst s0  }
0x18: {  	s0 =	sld [smem:$0x3F9A];
	_ =	swait.ge [sflag:s4], $0x0  }
0x19: {  	s7 =	sld [smem:$0x3F9B]  }
0x1a: {  	s8 =	sadd.s32 $0xFFFFE003, lr  }
0x1b: {  	s9 =	sadd.s32 $0xFFFFFEF7, lr;
	s5 =	simm.s32 $0xFFFFFFFF;
	p2 =	slt.u32 s8, $0xFFFFF086  }
0x1c: {  	p1 =	slt.u32 s9, $0xF7A;
	s5 =	simm.s32 @!p2 $0x0  }
0x1d: {  	s5 =	simm.s32 @p1 $0x1;
	p0 =	seq.s32 s7, s2  }
0x1e: {  	s7 =	smul.u32 @!p0 $0xF7A, s2;
	p2 =	seq.s32 @!p0 s5, $0x0  }
0x1f: {  	s9 =	smul.u32 $0xF7A, s1;
	s8 =	simm.s32 @!p0 $0x1BF5;
	p2 =	por !p2, p0  }
0x20: {  	[sflag:s8] =	ssyncset.s32 @!p0 $0xFFFFF086;
	s6 =	sadd.s32 @!p0 s3, s7;
	s7 =	simm.s32 @!p0 $0x108  }
0x21: {  	s3 =	sadd.s32 s3, s9;
	s6 =	sadd.s32 @!p0 $0x88, s6;
	s7 =	simm.s32 @p2 $0x1082  }
0x22: {  	[simem:s7], [sflag:s8] =	dma.local @!p0 [hbm:s6], $0xF7A  }
0x23: {  	s9 =	sor.u32 $0xD0000000, s2;
	s6 =	simm.s32 $0x108;
	_ =	swait.ge @!p0 [sflag:s8], $0x0  }
0x24: {  	s3 =	sadd.s32 $0x88, s3;
	s6 =	simm.s32 @!p1 $0x1082;
	[sflag:s4] =	ssyncset.s32 $0xFFFFF086  }
0x25: {  	[simem:s6], [sflag:s4] =	dma.local [hbm:s3], $0xF7A  }
0x26: {  	[smem:$0x3F9B] =	sst s1;
	(tag) =	ssettag s2;
	_ =	strace s9  }
0x27: {  	s1 =	sld [smem:$0x3FAB]  }
0x28: {  	s2 =	sld [smem:$0x3FAC]  }
0x29: {  	s4 =	sld [smem:$0x3FAE]  }
0x2a: {  	p0 =	seq.s32 s5, $0x0;
	s5 =	sld [smem:$0x3FAF]  }
0x2b: {  	s6 =	sld [smem:$0x3FB0]  }
0x2c: {  	s7 =	sld [smem:$0x3FB1]  }
0x2d: {  	s3 =	simm.s32 $0x108;
	s8 =	sld [smem:$0x3FB2]  }
0x2e: {  	s3 =	simm.s32 @!p0 $0x1082;
	s9 =	sld [smem:$0x3FB3]  }
0x2f: {  	lr =	sadd.s32 s0, s3;
	s0 =	sld [smem:$0x3FAA]  }
0x30: {  	s3 =	sld [smem:$0x3FAD]  }
0x31: {  	[smem:$0x3FB6] =	sst s10  }
0x32: {  	s10 =	sld [smem:$0x3FB4];
	_ =	sdelay $0x3  }
0x33: {  	p0 =	seq.s32 s10, $0x1;
	s10 =	sld [smem:$0x3FB6];
	_ =	sdelay $0x3  }
0x34: {  	[smem:$0x3FB6] =	sst s10  }
0x35: {  	s10 =	sld [smem:$0x3FB5];
	_ =	sdelay $0x3  }
0x36: {  	p1 =	seq.s32 s10, $0x1;
	s10 =	sld [smem:$0x3FB6];
	_ =	sdelay $0x3  }
0x37: {  	[smem:$0x3FB6] =	sst s10  }
0x38: {  	s10 =	sld [smem:$0x3FB7]  }
0x39: {  	_ = 	snop;
	(pc) =	sbr.ind lr, $3  }
0x3a: {  	_ = 	snop  }
0x3b: {  	_ = 	snop  }
0x3c: {  	p2 =	seq.s32 s10, $0x1;
	s10 =	sld [smem:$0x3FB6]  }
0x3d: {  	_ =	shalt  }
0x3e: {  	_ =	shalt  }
0x3f: {  	_ =	shalt  }
0x40: {  	_ =	shalt  }
0x41: {  	_ =	shalt  }
0x42: {  	_ =	shalt  }
0x43: {  	_ =	shalt  }
0x44: {  	_ =	shalt  }
0x45: {  	_ =	shalt  }
0x46: {  	_ =	shalt  }
0x47: {  	_ =	shalt  }
0x48: {  	_ =	shalt  }
0x49: {  	_ =	shalt  }
0x4a: {  	_ =	shalt  }
0x4b: {  	_ =	shalt  }
0x4c: {  	_ =	shalt  }
0x4d: {  	_ =	shalt  }
0x4e: {  	_ =	shalt  }
0x4f: {  	_ =	shalt  }
0x50: {  	_ =	shalt  }
0x51: {  	_ =	shalt  }
0x52: {  	_ =	shalt  }
0x53: {  	_ =	shalt  }
0x54: {  	_ =	shalt  }
0x55: {  	_ =	shalt  }
0x56: {  	_ =	shalt  }
0x57: {  	_ =	shalt  }
0x58: {  	_ =	shalt  }
0x59: {  	_ =	shalt  }
0x5a: {  	_ =	shalt  }
0x5b: {  	_ =	shalt  }
0x5c: {  	_ =	shalt  }
0x5d: {  	_ =	shalt  }
0x5e: {  	_ =	shalt  }
0x5f: {  	_ =	shalt  }
0x60: {  	_ =	shalt  }
0x61: {  	_ =	shalt  }
0x62: {  	_ =	shalt  }
0x63: {  	_ =	shalt  }
0x64: {  	_ =	shalt  }
0x65: {  	_ =	shalt  }
0x66: {  	_ =	shalt  }
0x67: {  	_ =	shalt  }
0x68: {  	_ =	shalt  }
0x69: {  	_ =	shalt  }
0x6a: {  	_ =	shalt  }
0x6b: {  	_ =	shalt  }
0x6c: {  	_ =	shalt  }
0x6d: {  	_ =	shalt  }
0x6e: {  	_ =	shalt  }
0x6f: {  	_ =	shalt  }
0x70: {  	_ =	shalt  }
0x71: {  	_ =	shalt  }
0x72: {  	_ =	shalt  }
0x73: {  	_ =	shalt  }
0x74: {  	_ =	shalt  }
0x75: {  	_ =	shalt  }
0x76: {  	_ =	shalt  }
0x77: {  	_ =	shalt  }
0x78: {  	_ =	shalt  }
0x79: {  	_ =	shalt  }
0x7a: {  	_ =	shalt  }
0x7b: {  	_ =	shalt  }
0x7c: {  	_ =	shalt  }
0x7d: {  	_ =	shalt  }
0x7e: {  	_ =	shalt  }
0x7f: {  	_ =	shalt  }
0x80: {  	_ =	shalt  }
0x81: {  	_ =	shalt  }
0x82: {  	_ =	shalt  }
0x83: {  	_ =	shalt  }
0x84: {  	_ =	shalt  }
0x85: {  	_ =	shalt  }
0x86: {  	_ =	shalt  }
0x87: {  	_ =	shalt  }
.Lfunc_end0:
.L_simem_size_0:
called_computation_lowered:
.L_overlay_start_0:
0x88: {  	s2 =	sld [smem:$0x3FD9]  }
0x89: {  	s3 =	sld [smem:$0x3FFE];
	_ =	sdelay $0x1  }
0x8a: {  	s1 =	srdreg.scid  }
0x8b: {  	s0 =	sand.u32 $0x1, s1  }
0x8c: {  	s16 =	sshll.u32 s0, $0xA;
	s2 =	sadd.s32 s3, s2  }
0x8d: {  	s2 =	sadd.s32 s2, s16  }
0x8e: {  	[smem:$0x3FC2] =	sst s2  }
0x8f: {  	_ = 	snop  }
0x90: {  	(tm) =	ssettm $0x1  }
0x91: {  	s17 =	sld [smem:$0x3FFB];
	_ =	sdelay $0x3  }
0x92: {  	_ =	strace s17  }
0x93: {  	s2 =	sld [smem:$0x3FFC];
	_ =	sdelay $0x3  }
0x94: {  	_ =	strace s2  }
0x95: {  	s2 =	sld [smem:$0x3FFD];
	_ =	sdelay $0x3  }
0x96: {  	_ =	strace s2  }
0x97: {  	_ =	strace $0x8FFFFFFF  }
0x98: {  	s18 =	sld [smem:$0x3FDB];
	_ =	sdelay $0x1  }
0x99: {  	s19 =	simm.s32 $_scs_section_size  }
0x9a: {  	s4 =	simm.s32 $_size__tile_overlayer_lowered;
	s5 =	simm.s32 $_tile_overlayer_lowered  }
0x9b: {  	s22 =	simm.s32 $0x1BFF;
	s21 =	sshll.u32 s5, $0x1;
	s2 =	sadd.s32 s19, s18  }
0x9c: {  	s6 =	simm.s32 $0x0;
	s20 =	sshll.u32 s4, $0x1;
	s4 =	sadd.s32 s21, s2  }
0x9d: {  	[timem:s6], [sflag:s22] =	dma.local [hbm:s4], s20  }
0x9e: {  	_ =	swait.ge [sflag:s22], s20  }
0x9f: {  	s3 =	ssub.s32 $0x0, s20;
	[sflag:s22] =	ssyncset.done $0x0  }
0xa0: {  	[sflag:s22] =	ssyncadd.s32 s3;
	_ =	sdelay $0x1  }
0xa1: {  	s23 =	simm.s32 $0x1B8B  }
0xa2: {  	_ =	swait.ge [sflag:s23], $0x1  }
0xa3: {  	[sflag:s23] =	ssyncset.done $0x0  }
0xa4: {  	s25 =	simm.s32 $0x1B8E;
	s24 =	sld [smem:$0x3FFE];
	[sflag:s23] =	ssyncadd.s32 $0xFFFFFFFF  }
0xa5: {  	s26 =	simm.s32 $execute0_lowered;
	[smem:$0x3FD2] =	sst s25  }
0xa6: {  	s4 =	sshll.u32 s26, $0x1;
	_ =	strace $0x80000046;
	[dreg:$0x1] =	wrdreg $0xFFFFFFFF  }
0xa7: {  	s28 =	simm.s32 $_size_execute0_lowered;
	s2 =	sadd.s32 s2, s4;
	[dreg:$0x0] =	wrdreg $0x0  }
0xa8: {  	s4 =	sshll.u32 s28, $0x1;
	[dreg:$0x2] =	wrdreg s2  }
0xa9: {  	[dreg:$0x3] =	wrdreg s4  }
0xaa: {  	[dreg:$0x4] =	wrdreg $0xC0  }
0xab: {  	_ =	task [dreg:s6], $0x5FFFF  }
0xac: {  	[dreg:$0x1] =	wrdreg $0xFFFFFFFF  }
0xad: {  	[dreg:$0x0] =	wrdreg $0x60  }
0xae: {  	[dreg:$0x2] =	wrdreg s24  }
0xaf: {  	[dreg:$0x3] =	wrdreg $0x9  }
0xb0: {  	_ =	task.clear_ibuf [dreg:s6], $0x4FFFF;
	_ =	strace $0x90000046  }
0xb1: {  	s29 =	simm.s32 $0x9;
	_ =	strace $0x80000048  }
0xb2: {  	_ =	swait.ge [sflag:s29], $0x1  }
0xb3: {  	[sflag:s29] =	ssyncadd.s32 $0xFFFFFFFF  }
0xb4: {  	_ =	strace $0x90000048  }
0xb5: {  	_ =	sfence  }
0xb6: {  	s30 =	sld [smem:$0x0];
	_ =	sdelay $0x2  }
0xb7: {  	s31 =	sshll.u32 s1, $0xD;
	s1 =	sshrl.u32 s1, $0x2  }
0xb8: {  	s3 =	sand.u32 $0x4000, s31;
	s1 =	sadd.s32 s1, s30  }
0xb9: {  	s0 =	sor.u32 s3, s0;
	s1 =	sshll.u32 s1, $0x11  }
0xba: {  	s0 =	sor.u32 s1, s0  }
0xbb: {  	s0 =	sadd.s32 $0x8F2B, s0  }
0xbc: {  	[sflag:s0] =	ssyncadd.remote.s32 $0x1  }
0xbd: {  	_ =	sfence.sel $0xFFFF  }
0xbe: {  	[dreg:$0x0] =	wrdreg $0xFFFFFFFF;
	(pc) =	sbr.abs _section_cstart, $3  }
0xbf: {  	[dreg:$0x1] =	wrdreg $0xFFFFFFFF  }
0xc0: {  	_ =	task.clear_ibuf [dreg:s6], $0x2FFFF;
	_ =	strace $0x9FFFFFFF  }
0xc1: {  	(tm) =	ssettm $0x7FFFFFFF  }
tec
execute0_lowered:
.L_overlay_start_1:
0x0: {  	(tag) =	ssettag $0x1  }
0x1: {  	s1 =	srdreg.scid;
	s0 =	stileid.u32  }
0x2: {  	s4 =	rddreg [dreg:$0x0];
	s2 =	simm.s32 $0x0;
	s9 =	simm.s32 $0x6400  }
0x3: {  	s10 =	simm.s32 $0x48;
	s11 =	simm.s32 $0x8400;
	s12 =	simm.s32 $0xC8  }
0x4: {  	s13 =	simm.s32 $0x9600;
	s14 =	simm.s32 $0x148;
	s15 =	simm.s32 $0xB600  }
0x5: {  	s16 =	simm.s32 $0x1;
	s17 =	simm.s32 $0x2;
	s18 =	simm.s32 $0xC800  }
0x6: {  	s3 =	sand.u32 $0x1, s1;
	s31 =	sshll.u32 s0, $0x1;
	s1 =	rddreg [dreg:$0x1]  }
0x7: {  	s19 =	simm.s32 $0x0;
	[smem:$0x7FF] =	sst s2;
	s5 =	sor.u32 s3, s31  }
.Ltmp0:
0x8: {  	_ =	strace $0x80000047;
	s7 =	ssub.s32 $0x2, s3;
	(pc) =	sbr.rel .LBB2_1-.Ltmp0, $4  }
0x9: {  	s6 =	smul.u32 $0xC80, s5;
	s5 =	sshll.u32 s5, $0xA;
	s8 =	sshrl.u32 s7, $0x1  }
0xa: {  	s3 =	sadd.s32 $0xF42E00, s4;
	s5 =	sadd.s32 s5, s4;
	s7 =	ssub.s32 s7, s8  }
0xb: {  	s8 =	simm.s32 $0x80;
	s6 =	sadd.s32 s6, s4;
	s5 =	sadd.s32 $0x19A00, s5  }
0xc: {  	s4 =	sadd.s32 $0xA00, s6;
	s6 =	smax.u32 s7, $0x1;
	s7 =	simm.s32 $0x3  }
.LBB2_8:
0xd: {  	s19 =	sadd.s32 $0x1, s19  }
0xe: {  	p0 =	sne.s32 s19, s6  }
.Ltmp1:
0xf: {  	_ = 	snop;
	(pc) =	sbr.rel @!p0 .LBB2_9-.Ltmp1, $4  }
0x10: {  	[hbm4b:s5+s2] =	stream.linear.scatter [tilespmem:s18], [sflag:$0x3], $0x2000, $0x38;
	[tilespmem:$0xE800] =	vst v63  }
0x11: {  	_ =	swait.ge [sflag:s7], $0x2000  }
0x12: {  	[sflag:s7] =	ssyncset.done $0x0  }
0x13: {  	[sflag:s7] =	ssyncadd.s32 $0xFFFFE000  }
.LBB2_1:
0x14: {  	[tilespmem:s2], [sflag:$0x3] =	stream.linear.gather [hbm4b:s4+s2], $0x6400, $0x38;
	[tilespmem:$0xE800] =	vst v63  }
0x15: {  	_ =	swait.ge [sflag:s7], $0x6400  }
0x16: {  	[sflag:s7] =	ssyncset.done $0x0  }
0x17: {  	[sflag:s7] =	ssyncadd.s32 $0xFFFF9C00  }
0x18: {  	[tilespmem:s9], [sflag:$0x1] =	stream.indirect.gather [hbm4b:s3+s8], $0x40, s2, s8, $0xb8;
	[tilespmem:$0xE800] =	vst v63  }
0x19: {  	_ = 	snop  }
0x1a: {  	[tilespmem:s11], [sflag:$0x1] =	stream.indirect.gather [hbm4b:s3+s10], $0x40, s8, s10, $0xb8;
	[tilespmem:$0xE800] =	vst v63  }
0x1b: {  	_ = 	snop  }
0x1c: {  	[tilespmem:s13], [sflag:$0x2] =	stream.indirect.gather [hbm4b:s3+s8], $0x40, s12, s8, $0xb8;
	[tilespmem:$0xE800] =	vst v63  }
0x1d: {  	s20 =	simm.s32 $0x0  }
0x1e: {  	[tilespmem:s15], [sflag:$0x2] =	stream.indirect.gather [hbm4b:s3+s10], $0x40, s14, s10, $0xb8;
	[tilespmem:$0xE800] =	vst v63  }
.LBB2_2:
0x1f: {  	_ =	swait.ge [sflag:s16], $0x2000  }
0x20: {  	[sflag:s16] =	ssyncset.done $0x0  }
0x21: {  	[sflag:s16] =	ssyncadd.s32 $0xFFFFE000  }
0x22: {  	_ =	swait.ge [sflag:s16], $0x1200  }
0x23: {  	[sflag:s16] =	ssyncset.done $0x0  }
0x24: {  	s21 =	simm.s32 $0x0;
	[sflag:s16] =	ssyncadd.s32 $0xFFFFEE00  }
0x25: {  	v3 =	vld [tilespmem:s21+$0x6580]  }
0x26: {  	v4 =	vld [tilespmem:s21+$0x6590]  }
0x27: {  	v5 =	vld [tilespmem:s21+$0x65A0]  }
0x28: {  	v6 =	vld [tilespmem:s21+$0x65B0]  }
0x29: {  	v0 =	vld [tilespmem:s21+$0x65C0]  }
0x2a: {  	v1 =	vld [tilespmem:s21+$0x65D0]  }
0x2b: {  	v13 =	vld [tilespmem:s21+$0x6500]  }
0x2c: {  	v15 =	vld [tilespmem:s21+$0x6510]  }
0x2d: {  	v12 =	vld [tilespmem:s21+$0x6520]  }
0x2e: {  	v14 =	vld [tilespmem:s21+$0x6530]  }
0x2f: {  	v2 =	vld [tilespmem:s21+$0x6540]  }
0x30: {  	v9 =	vld [tilespmem:s21+$0x6480]  }
0x31: {  	v10 =	vld [tilespmem:s21+$0x6490]  }
0x32: {  	v11 =	vld [tilespmem:s21+$0x6400]  }
0x33: {  	v17 =	vld [tilespmem:s21+$0x6410]  }
0x34: {  	v18 =	vld [tilespmem:s21+$0x6420]  }
0x35: {  	v19 =	vld [tilespmem:s21+$0x6430]  }
0x36: {  	v20 =	vld [tilespmem:s21+$0x64A0]  }
0x37: {  	v24 =	vld [tilespmem:s21+$0x64B0]  }
0x38: {  	v8 =	vimm.f32 $0.0e+00;
	v7 =	vld [tilespmem:s21+$0x6550]  }
0x39: {  	v16 =	vld [tilespmem:s21+$0x64C0];
	v11 =	vadd.f32 v11, v8;
	v22 =	vadd.f32 v17, v8  }
0x3a: {  	v17 =	vld [tilespmem:s21+$0x64D0];
	v23 =	vadd.f32 v18, v8;
	v25 =	vadd.f32 v19, v8  }
0x3b: {  	v18 =	vld [tilespmem:s21+$0x6440];
	v21 =	vadd.f32 v9, v11;
	v22 =	vadd.f32 v10, v22  }
0x3c: {  	v19 =	vld [tilespmem:s21+$0x6450];
	v23 =	vadd.f32 v20, v23;
	v24 =	vadd.f32 v24, v25  }
0x3d: {  	s22 =	simm.s32 $0x800;
	v20 =	vld [tilespmem:s21+$0x6460];
	v11 =	vimm.f32 $0.0e+00;
	v10 =	vimm.f32 $0.0e+00;
	v9 =	vimm.f32 $0.0e+00  }
.LBB2_3:
0x3e: {  	p0 =	sne.s32 s22, $0xC000;
	v25 =	vld [tilespmem:s21+$0x6470];
	v13 =	vadd.f32 v13, v21;
	v15 =	vadd.f32 v15, v22  }
0x3f: {  	v21 =	vld [tilespmem:s21+$0x64E0];
	v12 =	vadd.f32 v12, v23;
	v14 =	vadd.f32 v14, v24  }
0x40: {  	v22 =	vld [tilespmem:s21+$0x64F0];
	v23 =	vadd.f32 v3, v13;
	v24 =	vadd.f32 v4, v15  }
0x41: {  	v13 =	vld [tilespmem:s21+$0x6560];
	v26 =	vadd.f32 v5, v12;
	v27 =	vadd.f32 v6, v14  }
0x42: {  	v3 =	vadd.f32 v18, v8;
	v4 =	vadd.f32 v19, v11;
	v6 =	vld [tilespmem:s21+$0x6570]  }
0x43: {  	v5 =	vadd.f32 v20, v10;
	v8 =	vadd.f32 v25, v9;
	v9 =	vld [tilespmem:s21+$0x65E0]  }
0x44: {  	v10 =	vadd.f32 v16, v3;
	v11 =	vadd.f32 v17, v4;
	v12 =	vld [tilespmem:s21+$0x65F0];
	s21 =	sshra.s32 s22, $0x2  }
0x45: {  	v14 =	vadd.f32 v21, v5;
	v3 =	vld [tilespmem:s21+$0x6580];
	v8 =	vadd.f32 v22, v8  }
0x46: {  	v2 =	vadd.f32 v2, v10;
	v7 =	vadd.f32 v7, v11;
	v4 =	vld [tilespmem:s21+$0x6590]  }
0x47: {  	v10 =	vadd.f32 v13, v14;
	v5 =	vld [tilespmem:s21+$0x65A0];
	v13 =	vadd.f32 v6, v8  }
0x48: {  	v8 =	vadd.f32 v0, v2;
	v11 =	vadd.f32 v1, v7;
	v6 =	vld [tilespmem:s21+$0x65B0]  }
0x49: {  	v10 =	vadd.f32 v9, v10;
	v0 =	vld [tilespmem:s21+$0x65C0];
	v9 =	vadd.f32 v12, v13  }
0x4a: {  	v1 =	vld [tilespmem:s21+$0x65D0]  }
0x4b: {  	v13 =	vld [tilespmem:s21+$0x6500]  }
0x4c: {  	v15 =	vld [tilespmem:s21+$0x6510]  }
0x4d: {  	v12 =	vld [tilespmem:s21+$0x6520]  }
0x4e: {  	v14 =	vld [tilespmem:s21+$0x6530]  }
0x4f: {  	v2 =	vld [tilespmem:s21+$0x6540]  }
0x50: {  	v7 =	vld [tilespmem:s21+$0x6550]  }
0x51: {  	v20 =	vld [tilespmem:s21+$0x6480]  }
0x52: {  	v22 =	vld [tilespmem:s21+$0x6490]  }
0x53: {  	v17 =	vld [tilespmem:s21+$0x6400]  }
0x54: {  	v18 =	vld [tilespmem:s21+$0x6410]  }
0x55: {  	v19 =	vld [tilespmem:s21+$0x6420]  }
0x56: {  	v21 =	vld [tilespmem:s21+$0x6430]  }
0x57: {  	v25 =	vld [tilespmem:s21+$0x64A0]  }
0x58: {  	v28 =	vld [tilespmem:s21+$0x64B0]  }
.Ltmp2:
0x59: {  	v16 =	vld [tilespmem:s21+$0x64C0];
	(pc) =	sbr.rel @p0 .LBB2_3-.Ltmp2, $4  }
0x5a: {  	v23 =	vadd.f32 v17, v23;
	v24 =	vadd.f32 v18, v24;
	v17 =	vld [tilespmem:s21+$0x64D0]  }
0x5b: {  	v26 =	vadd.f32 v19, v26;
	v27 =	vadd.f32 v21, v27;
	v18 =	vld [tilespmem:s21+$0x6440]  }
0x5c: {  	v21 =	vadd.f32 v20, v23;
	v22 =	vadd.f32 v22, v24;
	v19 =	vld [tilespmem:s21+$0x6450]  }
0x5d: {  	s22 =	sadd.s32 $0x800, s22;
	v23 =	vadd.f32 v25, v26;
	v20 =	vld [tilespmem:s21+$0x6460];
	v24 =	vadd.f32 v28, v27  }
0x5e: {  	v13 =	vadd.f32 v13, v21;
	v15 =	vadd.f32 v15, v22  }
0x5f: {  	v21 =	vld [tilespmem:s21+$0x6470];
	v12 =	vadd.f32 v12, v23;
	v14 =	vadd.f32 v14, v24  }
0x60: {  	v22 =	vld [tilespmem:s21+$0x64E0];
	v3 =	vadd.f32 v3, v13;
	v4 =	vadd.f32 v4, v15  }
0x61: {  	v13 =	vld [tilespmem:s21+$0x64F0];
	v8 =	vadd.f32 v18, v8;
	v5 =	vadd.f32 v5, v12  }
0x62: {  	v12 =	vld [tilespmem:s21+$0x6560];
	v6 =	vadd.f32 v6, v14;
	v11 =	vadd.f32 v19, v11  }
0x63: {  	v14 =	vld [tilespmem:s21+$0x6570];
	v10 =	vadd.f32 v20, v10;
	v8 =	vadd.f32 v16, v8  }
0x64: {  	v15 =	vld [tilespmem:s21+$0x65E0];
	v9 =	vadd.f32 v21, v9;
	v11 =	vadd.f32 v17, v11  }
0x65: {  	v16 =	vld [tilespmem:s21+$0x65F0];
	v10 =	vadd.f32 v22, v10;
	v2 =	vadd.f32 v2, v8  }
0x66: {  	v8 =	vadd.f32 v13, v9;
	v7 =	vadd.f32 v7, v11  }
0x67: {  	v9 =	vadd.f32 v12, v10;
	v0 =	vadd.f32 v0, v2  }
0x68: {  	v2 =	vadd.f32 v14, v8;
	v1 =	vadd.f32 v1, v7  }
0x69: {  	v7 =	vadd.f32 v15, v9;
	v0 =	vadd.f32 v0, v3  }
0x6a: {  	v2 =	vadd.f32 v16, v2;
	v1 =	vadd.f32 v1, v4  }
0x6b: {  	s31 =	sshll.u32 s20, $0x7;
	v0 =	vmul.f32 $4.999999890e-03, v0;
	v3 =	vadd.f32 v7, v5  }
0x6c: {  	p0 =	seq.s32 s20, $0x3F;
	s21 =	sand.u32 $0x3FFFFF80, s31;
	v1 =	vmul.f32 $4.999999890e-03, v1;
	v2 =	vadd.f32 v2, v6  }
0x6d: {  	s22 =	smul.u32 @!p0 $0x640, s20;
	[tilespmem:s21+$0xC800] =	vst v0;
	v0 =	vmul.f32 $4.999999890e-03, v3  }
0x6e: {  	[tilespmem:s21+$0xC810] =	vst v1;
	v1 =	vmul.f32 $4.999999890e-03, v2  }
0x6f: {  	s22 =	sshra.s32 @!p0 s22, $0x2;
	[tilespmem:s21+$0xC820] =	vst v0  }
0x70: {  	s24 =	simm.s32 @!p0 $0x80;
	s25 =	simm.s32 @!p0 $0x6400;
	s23 =	sadd.s32 @!p0 $0x190, s22;
	[tilespmem:s21+$0xC830] =	vst v1  }
0x71: {  	[tilespmem:s25], [sflag:$0x1] =	stream.indirect.gather @!p0 [hbm4b:s3+s24], $0x40, s23, s24, $0xb8;
	[tilespmem:$0xE800] =	vst v63  }
0x72: {  	s22 =	sadd.s32 @!p0 $0x210, s22;
	s23 =	simm.s32 @!p0 $0x48;
	s24 =	simm.s32 @!p0 $0x8400  }
0x73: {  	[tilespmem:s24], [sflag:$0x1] =	stream.indirect.gather @!p0 [hbm4b:s3+s23], $0x40, s22, s23, $0xb8;
	[tilespmem:$0xE800] =	vst v63  }
0x74: {  	_ =	swait.ge [sflag:s17], $0x2000  }
0x75: {  	[sflag:s17] =	ssyncset.done $0x0  }
0x76: {  	[sflag:s17] =	ssyncadd.s32 $0xFFFFE000  }
0x77: {  	_ =	swait.ge [sflag:s17], $0x1200  }
0x78: {  	[sflag:s17] =	ssyncset.done $0x0  }
0x79: {  	s22 =	simm.s32 $0x0;
	[sflag:s17] =	ssyncadd.s32 $0xFFFFEE00  }
0x7a: {  	v3 =	vld [tilespmem:s22+$0x9780]  }
0x7b: {  	v4 =	vld [tilespmem:s22+$0x9790]  }
0x7c: {  	v5 =	vld [tilespmem:s22+$0x97A0]  }
0x7d: {  	v6 =	vld [tilespmem:s22+$0x97B0]  }
0x7e: {  	v0 =	vld [tilespmem:s22+$0x97C0]  }
0x7f: {  	v1 =	vld [tilespmem:s22+$0x97D0]  }
0x80: {  	v13 =	vld [tilespmem:s22+$0x9700]  }
0x81: {  	v15 =	vld [tilespmem:s22+$0x9710]  }
0x82: {  	v12 =	vld [tilespmem:s22+$0x9720]  }
0x83: {  	v14 =	vld [tilespmem:s22+$0x9730]  }
0x84: {  	v2 =	vld [tilespmem:s22+$0x9740]  }
0x85: {  	v9 =	vld [tilespmem:s22+$0x9680]  }
0x86: {  	v10 =	vld [tilespmem:s22+$0x9690]  }
0x87: {  	v11 =	vld [tilespmem:s22+$0x9600]  }
0x88: {  	v17 =	vld [tilespmem:s22+$0x9610]  }
0x89: {  	v18 =	vld [tilespmem:s22+$0x9620]  }
0x8a: {  	v19 =	vld [tilespmem:s22+$0x9630]  }
0x8b: {  	v20 =	vld [tilespmem:s22+$0x96A0]  }
0x8c: {  	v24 =	vld [tilespmem:s22+$0x96B0]  }
0x8d: {  	v8 =	vimm.f32 $0.0e+00;
	v7 =	vld [tilespmem:s22+$0x9750]  }
0x8e: {  	v16 =	vld [tilespmem:s22+$0x96C0];
	v11 =	vadd.f32 v11, v8;
	v22 =	vadd.f32 v17, v8  }
0x8f: {  	v17 =	vld [tilespmem:s22+$0x96D0];
	v23 =	vadd.f32 v18, v8;
	v25 =	vadd.f32 v19, v8  }
0x90: {  	v18 =	vld [tilespmem:s22+$0x9640];
	v21 =	vadd.f32 v9, v11;
	v22 =	vadd.f32 v10, v22  }
0x91: {  	v19 =	vld [tilespmem:s22+$0x9650];
	v23 =	vadd.f32 v20, v23;
	v24 =	vadd.f32 v24, v25  }
0x92: {  	s23 =	simm.s32 $0x800;
	v20 =	vld [tilespmem:s22+$0x9660];
	v11 =	vimm.f32 $0.0e+00;
	v10 =	vimm.f32 $0.0e+00;
	v9 =	vimm.f32 $0.0e+00  }
.LBB2_5:
0x93: {  	p1 =	sne.s32 s23, $0xC000;
	v25 =	vld [tilespmem:s22+$0x9670];
	v13 =	vadd.f32 v13, v21;
	v15 =	vadd.f32 v15, v22  }
0x94: {  	v21 =	vld [tilespmem:s22+$0x96E0];
	v12 =	vadd.f32 v12, v23;
	v14 =	vadd.f32 v14, v24  }
0x95: {  	v22 =	vld [tilespmem:s22+$0x96F0];
	v23 =	vadd.f32 v3, v13;
	v24 =	vadd.f32 v4, v15  }
0x96: {  	v13 =	vld [tilespmem:s22+$0x9760];
	v26 =	vadd.f32 v5, v12;
	v27 =	vadd.f32 v6, v14  }
0x97: {  	v3 =	vadd.f32 v18, v8;
	v4 =	vadd.f32 v19, v11;
	v6 =	vld [tilespmem:s22+$0x9770]  }
0x98: {  	v5 =	vadd.f32 v20, v10;
	v8 =	vadd.f32 v25, v9;
	v9 =	vld [tilespmem:s22+$0x97E0]  }
0x99: {  	v10 =	vadd.f32 v16, v3;
	v11 =	vadd.f32 v17, v4;
	v12 =	vld [tilespmem:s22+$0x97F0];
	s22 =	sshra.s32 s23, $0x2  }
0x9a: {  	v14 =	vadd.f32 v21, v5;
	v3 =	vld [tilespmem:s22+$0x9780];
	v8 =	vadd.f32 v22, v8  }
0x9b: {  	v2 =	vadd.f32 v2, v10;
	v7 =	vadd.f32 v7, v11;
	v4 =	vld [tilespmem:s22+$0x9790]  }
0x9c: {  	v10 =	vadd.f32 v13, v14;
	v5 =	vld [tilespmem:s22+$0x97A0];
	v13 =	vadd.f32 v6, v8  }
0x9d: {  	v8 =	vadd.f32 v0, v2;
	v11 =	vadd.f32 v1, v7;
	v6 =	vld [tilespmem:s22+$0x97B0]  }
0x9e: {  	v10 =	vadd.f32 v9, v10;
	v0 =	vld [tilespmem:s22+$0x97C0];
	v9 =	vadd.f32 v12, v13  }
0x9f: {  	v1 =	vld [tilespmem:s22+$0x97D0]  }
0xa0: {  	v13 =	vld [tilespmem:s22+$0x9700]  }
0xa1: {  	v15 =	vld [tilespmem:s22+$0x9710]  }
0xa2: {  	v12 =	vld [tilespmem:s22+$0x9720]  }
0xa3: {  	v14 =	vld [tilespmem:s22+$0x9730]  }
0xa4: {  	v2 =	vld [tilespmem:s22+$0x9740]  }
0xa5: {  	v7 =	vld [tilespmem:s22+$0x9750]  }
0xa6: {  	v20 =	vld [tilespmem:s22+$0x9680]  }
0xa7: {  	v22 =	vld [tilespmem:s22+$0x9690]  }
0xa8: {  	v17 =	vld [tilespmem:s22+$0x9600]  }
0xa9: {  	v18 =	vld [tilespmem:s22+$0x9610]  }
0xaa: {  	v19 =	vld [tilespmem:s22+$0x9620]  }
0xab: {  	v21 =	vld [tilespmem:s22+$0x9630]  }
0xac: {  	v25 =	vld [tilespmem:s22+$0x96A0]  }
0xad: {  	v28 =	vld [tilespmem:s22+$0x96B0]  }
.Ltmp3:
0xae: {  	v16 =	vld [tilespmem:s22+$0x96C0];
	(pc) =	sbr.rel @p1 .LBB2_5-.Ltmp3, $4  }
0xaf: {  	v23 =	vadd.f32 v17, v23;
	v24 =	vadd.f32 v18, v24;
	v17 =	vld [tilespmem:s22+$0x96D0]  }
0xb0: {  	v26 =	vadd.f32 v19, v26;
	v27 =	vadd.f32 v21, v27;
	v18 =	vld [tilespmem:s22+$0x9640]  }
0xb1: {  	v21 =	vadd.f32 v20, v23;
	v22 =	vadd.f32 v22, v24;
	v19 =	vld [tilespmem:s22+$0x9650]  }
0xb2: {  	s23 =	sadd.s32 $0x800, s23;
	v23 =	vadd.f32 v25, v26;
	v20 =	vld [tilespmem:s22+$0x9660];
	v24 =	vadd.f32 v28, v27  }
0xb3: {  	v13 =	vadd.f32 v13, v21;
	v15 =	vadd.f32 v15, v22  }
0xb4: {  	v50 =	vld [tilespmem:s22+$0x9670];
	v12 =	vadd.f32 v12, v23;
	v14 =	vadd.f32 v14, v24  }
0xb5: {  	v51 =	vld [tilespmem:s22+$0x96E0];
	v3 =	vadd.f32 v3, v13;
	v4 =	vadd.f32 v4, v15  }
0xb6: {  	v52 =	vld [tilespmem:s22+$0x96F0];
	v8 =	vadd.f32 v18, v8;
	v5 =	vadd.f32 v5, v12  }
0xb7: {  	v53 =	vld [tilespmem:s22+$0x9760];
	v6 =	vadd.f32 v6, v14;
	v11 =	vadd.f32 v19, v11  }
0xb8: {  	v54 =	vld [tilespmem:s22+$0x9770];
	v10 =	vadd.f32 v20, v10;
	v8 =	vadd.f32 v16, v8  }
0xb9: {  	v55 =	vld [tilespmem:s22+$0x97E0];
	v9 =	vadd.f32 v50, v9;
	v11 =	vadd.f32 v17, v11  }
0xba: {  	v56 =	vld [tilespmem:s22+$0x97F0];
	v10 =	vadd.f32 v51, v10;
	v2 =	vadd.f32 v2, v8  }
0xbb: {  	v57 =	vadd.f32 v52, v9;
	v7 =	vadd.f32 v7, v11  }
0xbc: {  	v58 =	vadd.f32 v53, v10;
	v0 =	vadd.f32 v0, v2  }
0xbd: {  	v59 =	vadd.f32 v54, v57;
	v1 =	vadd.f32 v1, v7  }
0xbe: {  	v60 =	vadd.f32 v55, v58;
	v0 =	vadd.f32 v0, v3  }
0xbf: {  	v2 =	vadd.f32 v56, v59;
	v1 =	vadd.f32 v1, v4  }
0xc0: {  	v0 =	vmul.f32 $4.999999890e-03, v0;
	v61 =	vadd.f32 v60, v5  }
.Ltmp4:
0xc1: {  	v1 =	vmul.f32 $4.999999890e-03, v1;
	v2 =	vadd.f32 v2, v6;
	(pc) =	sbr.rel @p0 .LBB2_8-.Ltmp4, $4  }
0xc2: {  	[tilespmem:s21+$0xC840] =	vst v0;
	v62 =	vmul.f32 $4.999999890e-03, v61  }
0xc3: {  	[tilespmem:s21+$0xC850] =	vst v1;
	v63 =	vmul.f32 $4.999999890e-03, v2  }
0xc4: {  	[tilespmem:s21+$0xC860] =	vst v62  }
0xc5: {  	[tilespmem:s21+$0xC870] =	vst v63  }
0xc6: {  	s21 =	smul.u32 $0x640, s20;
	_ =	sdelay $0x1  }
.Ltmp5:
0xc7: {  	s21 =	sshra.s32 s21, $0x2;
	(pc) =	sbr.rel .LBB2_2-.Ltmp5, $4  }
0xc8: {  	s22 =	sadd.s32 $0x258, s21  }
0xc9: {  	[tilespmem:s13], [sflag:$0x2] =	stream.indirect.gather [hbm4b:s3+s8], $0x40, s22, s8, $0xb8;
	[tilespmem:$0xE800] =	vst v63  }
0xca: {  	s20 =	sadd.s32 $0x1, s20;
	s21 =	sadd.s32 $0x2D8, s21  }
0xcb: {  	[tilespmem:s15], [sflag:$0x2] =	stream.indirect.gather [hbm4b:s3+s10], $0x40, s21, s10, $0xb8;
	[tilespmem:$0xE800] =	vst v63  }
.LBB2_9:
0xcc: {  	_ =	sfence.sel $0x180000  }
0xcd: {  	[bflag:$0x0] =	sbarrier.arrive $0xFFFF  }
0xce: {  	p0 =	sne.s32 s0, $0x0;
	_ =	strace $0x90000047  }
0xcf: {  	s0 =	sadd.s32 @!p0 $0x100000, s1;
	[bflag:$0x2] =	sbarrier.arrive $0xFFFF  }
0xd0: {  	[sflag:s0] =	ssyncadd.tile.s32 @!p0 $0x1;
	_ =	shalt  }
.Lfunc_end2:
_tile_overlayer_lowered:
.L_overlay_start_2:
0xd1: {  	(tag) =	ssettag $0x2  }
0xd2: {  	s0 =	rddreg [dreg:$0x0];
	s2 =	stileid.u32  }
0xd3: {  	s1 =	rddreg [dreg:$0x1];
	p0 =	sne.s32 s2, $0x0  }
0xd4: {  	s3 =	rddreg [dreg:$0x2];
	[bflag:$0x3] =	sbarrier.arrive $0xFFFF;
	s2 =	simm.s32 @!p0 $0x1C03  }
0xd5: {  	[timem:s3], [sflag:s2] =	dma.local @!p0 [hbm:s0], s1  }
0xd6: {  	s0 =	simm.s32 @!p0 $0x3  }
0xd7: {  	_ =	swait.ge @!p0 [sflag:s0], s1  }
0xd8: {  	s1 =	ssub.s32 @!p0 $0x0, s1;
	[sflag:s0] =	ssyncset.done @!p0 $0x0  }
0xd9: {  	[sflag:s0] =	ssyncadd.s32 @!p0 s1  }
0xda: {  	[bflag:$0x3] =	sbarrier.arrive $0xFFFF  }
0xdb: {  	_ =	shalt  }

</sc_bundles>
